<compile_context>
chip_gen: v7x
topology: tpu7x:2x2x1
jax: 0.10.2.dev20260603
libtpu: 0.0.44.dev20260713+nightly
codegen_flags: <defaults>
</compile_context>

<pallas_src>
import functools

import jax
import jax.numpy as jnp
from jax.experimental import pallas as pl
from jax.experimental.pallas import tpu as pltpu
from jax.experimental.pallas import tpu_sc as plsc

MAX_IDX = 400000
SPLIT = 204800
DIM = 64
DM = 1024
WINDOW = 128
REG = 16

T_COLS = 12800
T_STEPS = SPLIT // T_COLS


def _tc_transpose(tabT):

    def body(a_ref, b_ref, o_ref):
        o_ref[:, :DIM] = a_ref[...].T
        o_ref[:, DIM:] = b_ref[...].T

    return pl.pallas_call(
        body,
        grid=(T_STEPS,),
        in_specs=[
            pl.BlockSpec((DIM, T_COLS), lambda i: (0, i)),
            pl.BlockSpec((DIM, T_COLS), lambda i: (0, i + T_STEPS)),
        ],
        out_specs=pl.BlockSpec((T_COLS, 2 * DIM), lambda i: (i, 0)),
        out_shape=jax.ShapeDtypeStruct((SPLIT, 2 * DIM), jnp.float32),
        compiler_params=pltpu.CompilerParams(
            dimension_semantics=("parallel",),
        ),
    )(tabT, tabT)


def _sc_hash_gather(x2, p2, t2):
    n = x2.shape[1]
    mesh = plsc.VectorSubcoreMesh(core_axis_name="c", subcore_axis_name="s")

    @functools.partial(
        pl.kernel,
        out_type=jax.ShapeDtypeStruct((n, 2 * DIM), jnp.float32),
        mesh=mesh,
        scratch_types=[pltpu.VMEM((1, WINDOW), jnp.int32)],
    )
    def k(x_hbm, p_hbm, t_hbm, o_hbm, idx_s):
        def body(x_v, p_v, o_v):
            @pl.loop(0, WINDOW, step=REG)
            def _(c):
                slc = (pl.ds(0, 1), pl.ds(c, REG))
                h = x_v.at[*slc][...] * 3 + p_v.at[*slc][...]
                idx_s.at[*slc][...] = jnp.where(h >= SPLIT, h - SPLIT, h)

            pltpu.sync_copy(t_hbm.at[idx_s.at[0]], o_v)

        pltpu.emit_pipeline(
            body,
            grid=(n // WINDOW,),
            in_specs=[
                pl.BlockSpec((1, WINDOW), lambda i: (0, i)),
                pl.BlockSpec((1, WINDOW), lambda i: (0, i)),
            ],
            out_specs=[pl.BlockSpec((WINDOW, 2 * DIM), lambda i: (i, 0))],
            core_axis_name=("c", "s"),
            dimension_semantics=(pltpu.PARALLEL,),
        )(x_hbm, p_hbm, o_hbm)

    return k(x2, p2, t2)


def _tc_project(emb, xc, pc, w):
    n = emb.shape[0]
    rows = 2048

    def body(e_ref, x_ref, p_ref, w_ref, o_ref):
        h = x_ref[...] * 3 + p_ref[...]
        e = jnp.where(h >= SPLIT, e_ref[:, DIM:], e_ref[:, :DIM])
        o_ref[...] = jax.lax.dot_general(
            e, w_ref[...],
            (((1,), (1,)), ((), ())),
            preferred_element_type=jnp.float32,
        )

    return pl.pallas_call(
        body,
        grid=(n // rows,),
        in_specs=[
            pl.BlockSpec((rows, 2 * DIM), lambda i: (i, 0)),
            pl.BlockSpec((rows, 1), lambda i: (i, 0)),
            pl.BlockSpec((rows, 1), lambda i: (i, 0)),
            pl.BlockSpec((DM, DIM), lambda i: (0, 0)),
        ],
        out_specs=pl.BlockSpec((rows, DM), lambda i: (i, 0)),
        out_shape=jax.ShapeDtypeStruct((n, DM), jnp.float32),
        compiler_params=pltpu.CompilerParams(
            dimension_semantics=("parallel",),
        ),
    )(emb, xc, pc, w)


def kernel(x, table, W):
    b, s = x.shape
    x32 = x.astype(jnp.int32)
    prev = jnp.roll(x32, 1, axis=1).at[:, 0].set(0)
    n = b * s
    with jax.enable_x64(False):
        t2 = _tc_transpose(table.T)
        emb = _sc_hash_gather(x32.reshape(1, n), prev.reshape(1, n), t2)
        out = _tc_project(emb, x32.reshape(n, 1), prev.reshape(n, 1), W)
    return out.reshape(b, s, DM)

# --- scband reference (transcript-rebuilt; emitter-appended) ---
"""Pipeline reference for scband-bigram-hash-embedding-23089744183348 (READ-ONLY COPY).

The authoritative reference and input builder live on the scoring server;
editing this copy changes nothing except your own understanding.
"""

import jax
jax.config.update('jax_enable_x64', True)
import jax.numpy as jnp
import numpy as np

VOCAB_SIZE = 100000
BIGRAM_BUCKETS = 1000000
BIGRAM_DIM = 64
D_MODEL = 1024
BATCH = 4
SEQ = 4096


def setup_inputs(seed: int = 0) -> dict:
    key = jax.random.key(seed)
    k_x, k_tab, k_w = jax.random.split(key, 3)
    x = jax.random.randint(k_x, (BATCH, SEQ), 0, VOCAB_SIZE, dtype=jnp.int64)
    # nn.Embedding(bigram_buckets, bigram_dim) with normal_(std=0.02)
    table = jax.random.normal(k_tab, (BIGRAM_BUCKETS, BIGRAM_DIM), dtype=jnp.float32) * 0.02
    # nn.Linear(bigram_dim, d_model, bias=False): weight shape [d_model, bigram_dim]
    bound = 1.0 / np.sqrt(BIGRAM_DIM)
    W = jax.random.uniform(k_w, (D_MODEL, BIGRAM_DIM), dtype=jnp.float32, minval=-bound, maxval=bound)
    return {"x": x, "table": table, "W": W}


def reference(x, table, W):
    # prev = roll(x, 1, dims=1); prev[:, 0] = 0
    prev = jnp.roll(x, 1, axis=1)
    prev = prev.at[:, 0].set(0)
    # bigram hash (int64 to avoid overflow: max ~ 1e11)
    bigram_idx = (x * jnp.int64(1000003) + prev) % BIGRAM_BUCKETS
    # embedding gather (SparseCore-style row gather)
    emb = jnp.take(table, bigram_idx, axis=0)  # [B, S, bigram_dim]
    # linear projection, no bias: emb @ W.T
    out = jnp.dot(emb, W.T)  # [B, S, d_model]
    return out

if __name__ == "__main__":
    import jax
    _d = setup_inputs()
    print(jax.jit(kernel)(*tuple(_d.values())))

</pallas_src>

<mosaic_0001>
#map = affine_map<(d0, d1) -> (0, 0)>
module attributes {stable_mosaic.version = 14 : i64} {
  func.func @k(%arg0: i32, %arg1: i32, %arg2: memref<1x16384xi32, #tpu.memory_space<hbm>>, %arg3: memref<1x16384xi32, #tpu.memory_space<hbm>>, %arg4: memref<204800x128xf32, #tpu.memory_space<hbm>>, %arg5: memref<16384x128xf32, #tpu.memory_space<hbm>>, %arg6: memref<1x128xi32, #tpu.memory_space<vmem>>) attributes {dimension_semantics = [#tpu.dimension_semantics<core_parallel>, #tpu.dimension_semantics<subcore_parallel>], iteration_bounds = array<i64: 2, 16>, scalar_prefetch = 0 : i64, scratch_operands = 1 : i64, tpu.core_type = #tpu.core_type<sc_vector_subcore>, window_params = [{transform_indices = #map}, {transform_indices = #map}, {transform_indices = #map}, {transform_indices = #map}]} {
    %mul3A = arith.constant 1 : i32
    %mul3A_0 = arith.muli %arg1, %mul3A : i32
    %add3A = arith.constant 0 : i32
    %add3A_1 = arith.addi %add3A, %mul3A_0 : i32
    %mul3A_2 = arith.constant 16 : i32
    %mul3A_3 = arith.muli %arg0, %mul3A_2 : i32
    %add3A_4 = arith.addi %add3A_1, %mul3A_3 : i32
    %mul3A_5 = arith.constant 4 : i32
    %mul3A_6 = arith.muli %add3A_4, %mul3A_5 : i32
    "tpu.region"() ({
      %run_scoped3A = memref.alloca() : memref<2x1x128xi32, #tpu.memory_space<vmem>>
      %run_scoped3A_7 = tpu.sem_alloc : memref<2x!tpu.dma_semaphore, #tpu.memory_space<semaphore_mem>>
      %run_scoped3A_8 = memref.alloca() : memref<2x1x128xi32, #tpu.memory_space<vmem>>
      %run_scoped3A_9 = tpu.sem_alloc : memref<2x!tpu.dma_semaphore, #tpu.memory_space<semaphore_mem>>
      %run_scoped3A_10 = memref.alloca() : memref<2x128x128xf32, #tpu.memory_space<vmem>>
      %run_scoped3A_11 = tpu.sem_alloc : memref<2x!tpu.dma_semaphore, #tpu.memory_space<semaphore_mem>>
      %add3A_12 = arith.constant 0 : i32
      %add3A_13 = arith.addi %add3A_12, %mul3A_6 : i32
      %select_n3A = arith.constant true
      %select_n3A_14 = arith.constant 0 : i32
      %select_n3A_15 = arith.constant -1 : i32
      %select_n3A_16 = arith.select %select_n3A, %select_n3A_15, %select_n3A_14 : i32
      %eq3A = arith.constant -1 : i32
      %eq3A_17 = arith.cmpi eq, %select_n3A_16, %eq3A : i32
      %select_n3A_18 = arith.constant 3 : i32
      %select_n3A_19 = arith.select %eq3A_17, %select_n3A_18, %select_n3A_16 : i32
      %add3A_20 = arith.addi %select_n3A_19, %mul3A_6 : i32
      %select_n3A_21 = arith.constant true
      %select_n3A_22 = arith.constant 0 : i32
      %select_n3A_23 = arith.constant 1 : i32
      %select_n3A_24 = arith.select %select_n3A_21, %select_n3A_23, %select_n3A_22 : i32
      %eq3A_25 = arith.constant 4 : i32
      %eq3A_26 = arith.cmpi eq, %select_n3A_24, %eq3A_25 : i32
      %select_n3A_27 = arith.constant 0 : i32
      %select_n3A_28 = arith.select %eq3A_26, %select_n3A_27, %select_n3A_24 : i32
      %add3A_29 = arith.addi %select_n3A_28, %mul3A_6 : i32
      %add3A_30 = arith.constant 1 : i32
      %add3A_31 = arith.addi %select_n3A_28, %add3A_30 : i32
      %select_n3A_32 = arith.constant true
      %select_n3A_33 = arith.select %select_n3A_32, %add3A_31, %select_n3A_28 : i32
      %eq3A_34 = arith.constant 4 : i32
      %eq3A_35 = arith.cmpi eq, %select_n3A_33, %eq3A_34 : i32
      %select_n3A_36 = arith.constant 0 : i32
      %select_n3A_37 = arith.select %eq3A_35, %select_n3A_36, %select_n3A_33 : i32
      %add3A_38 = arith.addi %select_n3A_37, %mul3A_6 : i32
      "tpu.trace_start"() <{level = 10 : i32, message = "ep_initialize_0"}> : () -> ()
      %rem3A = arith.constant 0 : i32
      %rem3A_39 = arith.constant 2 : i32
      %rem3A_40 = arith.remui %rem3A, %rem3A_39 : i32
      %mul3A_41 = arith.constant 128 : i32
      %mul3A_42 = arith.muli %mul3A_41, %add3A_13 : i32
      %dma_start3A = arith.constant 0 : i32
      %dma_start3A_43 = arith.constant 0 : i32
      %dma_start3A_44 = tpu.memref_slice %run_scoped3A[%rem3A_40, %dma_start3A, %dma_start3A_43] : memref<2x1x128xi32, #tpu.memory_space<vmem>> -> memref<1x1x128xi32, #tpu.memory_space<vmem>>
      %dma_start3A_45 = tpu.memref_squeeze %dma_start3A_44 : memref<1x1x128xi32, #tpu.memory_space<vmem>> -> memref<1x128xi32, #tpu.memory_space<vmem>>
      %dma_start3A_46 = arith.constant 0 : i32
      %dma_start3A_47 = tpu.memref_slice %arg2[%dma_start3A_46, %mul3A_42] : memref<1x16384xi32, #tpu.memory_space<hbm>> -> memref<1x128xi32, #tpu.memory_space<hbm>>
      %dma_start3A_48 = tpu.memref_slice %run_scoped3A_7[%rem3A_40] : memref<2x!tpu.dma_semaphore, #tpu.memory_space<semaphore_mem>> -> memref<1x!tpu.dma_semaphore, #tpu.memory_space<semaphore_mem>>
      %dma_start3A_49 = tpu.memref_squeeze %dma_start3A_48 : memref<1x!tpu.dma_semaphore, #tpu.memory_space<semaphore_mem>> -> memref<!tpu.dma_semaphore, #tpu.memory_space<semaphore_mem>>
      %dma_start3A_50 = arith.constant 0 : i32
      %dma_start3A_51 = arith.constant 0 : i32
      %dma_start3A_52 = tpu.memref_slice %run_scoped3A[%rem3A_40, %dma_start3A_50, %dma_start3A_51] : memref<2x1x128xi32, #tpu.memory_space<vmem>> -> memref<1x1x128xi32, #tpu.memory_space<vmem>>
      %dma_start3A_53 = tpu.memref_squeeze %dma_start3A_52 : memref<1x1x128xi32, #tpu.memory_space<vmem>> -> memref<1x128xi32, #tpu.memory_space<vmem>>
      %dma_start3A_54 = arith.constant 0 : i32
      %dma_start3A_55 = tpu.memref_slice %arg2[%dma_start3A_54, %mul3A_42] : memref<1x16384xi32, #tpu.memory_space<hbm>> -> memref<1x128xi32, #tpu.memory_space<hbm>>
      tpu.enqueue_dma source(%dma_start3A_55 : memref<1x128xi32, #tpu.memory_space<hbm>>) target(%dma_start3A_53 : memref<1x128xi32, #tpu.memory_space<vmem>>) target_semaphore(%dma_start3A_49 : memref<!tpu.dma_semaphore, #tpu.memory_space<semaphore_mem>>)
      %add3A_56 = arith.constant 0 : i32
      %add3A_57 = arith.constant 1 : i32
      %add3A_58 = arith.addi %add3A_56, %add3A_57 : i32
      %select_n3A_59 = arith.constant true
      %select_n3A_60 = arith.constant 0 : i32
      %select_n3A_61 = arith.select %select_n3A_59, %add3A_58, %select_n3A_60 : i32
      %rem3A_62 = arith.constant 0 : i32
      %rem3A_63 = arith.constant 2 : i32
      %rem3A_64 = arith.remui %rem3A_62, %rem3A_63 : i32
      %mul3A_65 = arith.constant 128 : i32
      %mul3A_66 = arith.muli %mul3A_65, %add3A_13 : i32
      %dma_start3A_67 = arith.constant 0 : i32
      %dma_start3A_68 = arith.constant 0 : i32
      %dma_start3A_69 = tpu.memref_slice %run_scoped3A_8[%rem3A_64, %dma_start3A_67, %dma_start3A_68] : memref<2x1x128xi32, #tpu.memory_space<vmem>> -> memref<1x1x128xi32, #tpu.memory_space<vmem>>
      %dma_start3A_70 = tpu.memref_squeeze %dma_start3A_69 : memref<1x1x128xi32, #tpu.memory_space<vmem>> -> memref<1x128xi32, #tpu.memory_space<vmem>>
      %dma_start3A_71 = arith.constant 0 : i32
      %dma_start3A_72 = tpu.memref_slice %arg3[%dma_start3A_71, %mul3A_66] : memref<1x16384xi32, #tpu.memory_space<hbm>> -> memref<1x128xi32, #tpu.memory_space<hbm>>
      %dma_start3A_73 = tpu.memref_slice %run_scoped3A_9[%rem3A_64] : memref<2x!tpu.dma_semaphore, #tpu.memory_space<semaphore_mem>> -> memref<1x!tpu.dma_semaphore, #tpu.memory_space<semaphore_mem>>
      %dma_start3A_74 = tpu.memref_squeeze %dma_start3A_73 : memref<1x!tpu.dma_semaphore, #tpu.memory_space<semaphore_mem>> -> memref<!tpu.dma_semaphore, #tpu.memory_space<semaphore_mem>>
      %dma_start3A_75 = arith.constant 0 : i32
      %dma_start3A_76 = arith.constant 0 : i32
      %dma_start3A_77 = tpu.memref_slice %run_scoped3A_8[%rem3A_64, %dma_start3A_75, %dma_start3A_76] : memref<2x1x128xi32, #tpu.memory_space<vmem>> -> memref<1x1x128xi32, #tpu.memory_space<vmem>>
      %dma_start3A_78 = tpu.memref_squeeze %dma_start3A_77 : memref<1x1x128xi32, #tpu.memory_space<vmem>> -> memref<1x128xi32, #tpu.memory_space<vmem>>
      %dma_start3A_79 = arith.constant 0 : i32
      %dma_start3A_80 = tpu.memref_slice %arg3[%dma_start3A_79, %mul3A_66] : memref<1x16384xi32, #tpu.memory_space<hbm>> -> memref<1x128xi32, #tpu.memory_space<hbm>>
      tpu.enqueue_dma source(%dma_start3A_80 : memref<1x128xi32, #tpu.memory_space<hbm>>) target(%dma_start3A_78 : memref<1x128xi32, #tpu.memory_space<vmem>>) target_semaphore(%dma_start3A_74 : memref<!tpu.dma_semaphore, #tpu.memory_space<semaphore_mem>>)
      %add3A_81 = arith.constant 0 : i32
      %add3A_82 = arith.constant 1 : i32
      %add3A_83 = arith.addi %add3A_81, %add3A_82 : i32
      %select_n3A_84 = arith.constant true
      %select_n3A_85 = arith.constant 0 : i32
      %select_n3A_86 = arith.select %select_n3A_84, %add3A_83, %select_n3A_85 : i32
      "tpu.trace_stop"() : () -> ()
      %scan3A = arith.constant 0 : i32
      %scan3A_87 = arith.constant 0 : i32
      %scan3A_88 = arith.constant 0 : i32
      %scan3A_89 = arith.constant 0 : i32
      %scan3A_90 = arith.constant 0 : i32
      %scan3A_91 = arith.constant 0 : i32
      %scan3A_92 = arith.constant 4 : i32
      %scan3A_93 = arith.addi %scan3A_91, %scan3A_92 : i32
      %scan3A_94 = arith.constant 1 : i32
      %scan3A_95:7 = scf.for %scan3A_149 = %scan3A_91 to %scan3A_93 step %scan3A_94 iter_args(%scan3A_150 = %select_n3A_61, %scan3A_151 = %scan3A, %scan3A_152 = %select_n3A_86, %scan3A_153 = %scan3A_87, %scan3A_154 = %scan3A_88, %scan3A_155 = %scan3A_89, %scan3A_156 = %scan3A_90) -> (i32, i32, i32, i32, i32, i32, i32)  : i32 {
        %eq3A_157 = arith.constant 0 : i32
        %eq3A_158 = arith.cmpi eq, %scan3A_149, %eq3A_157 : i32
        %eq3A_159 = arith.constant 3 : i32
        %eq3A_160 = arith.cmpi eq, %scan3A_149, %eq3A_159 : i32
        %add3A_161 = arith.addi %scan3A_156, %mul3A_6 : i32
        %sub3A_162 = arith.constant 1 : i32
        %sub3A_163 = arith.subi %scan3A_156, %sub3A_162 : i32
        %select_n3A_164 = arith.constant true
        %select_n3A_165 = arith.select %select_n3A_164, %sub3A_163, %scan3A_156 : i32
        %eq3A_166 = arith.constant -1 : i32
        %eq3A_167 = arith.cmpi eq, %select_n3A_165, %eq3A_166 : i32
        %select_n3A_168 = arith.constant 3 : i32
        %select_n3A_169 = arith.select %eq3A_167, %select_n3A_168, %select_n3A_165 : i32
        %add3A_170 = arith.addi %select_n3A_169, %mul3A_6 : i32
        %add3A_171 = arith.constant 1 : i32
        %add3A_172 = arith.addi %scan3A_156, %add3A_171 : i32
        %select_n3A_173 = arith.constant true
        %select_n3A_174 = arith.select %select_n3A_173, %add3A_172, %scan3A_156 : i32
        %eq3A_175 = arith.constant 4 : i32
        %eq3A_176 = arith.cmpi eq, %select_n3A_174, %eq3A_175 : i32
        %select_n3A_177 = arith.constant 0 : i32
        %select_n3A_178 = arith.select %eq3A_176, %select_n3A_177, %select_n3A_174 : i32
        %add3A_179 = arith.addi %select_n3A_178, %mul3A_6 : i32
        %add3A_180 = arith.constant 1 : i32
        %add3A_181 = arith.addi %select_n3A_178, %add3A_180 : i32
        %select_n3A_182 = arith.constant true
        %select_n3A_183 = arith.select %select_n3A_182, %add3A_181, %select_n3A_178 : i32
        %eq3A_184 = arith.constant 4 : i32
        %eq3A_185 = arith.cmpi eq, %select_n3A_183, %eq3A_184 : i32
        %select_n3A_186 = arith.constant 0 : i32
        %select_n3A_187 = arith.select %eq3A_185, %select_n3A_186, %select_n3A_183 : i32
        %add3A_188 = arith.addi %select_n3A_187, %mul3A_6 : i32
        %ne3A = arith.cmpi ne, %add3A_161, %add3A_179 : i32
        %or3A = arith.constant false
        %or3A_189 = arith.ori %or3A, %ne3A : i1
        %ge3A = arith.constant 3 : i32
        %ge3A_190 = arith.cmpi sge, %scan3A_149, %ge3A : i32
        %not3A = arith.constant true
        %not3A_191 = arith.xori %ge3A_190, %not3A : i1
        %and3A = arith.andi %or3A_189, %not3A_191 : i1
        %convert_element_type3A = arith.extui %and3A : i1 to i32
        %cond3A = arith.constant 0 : i32
        %cond3A_192 = arith.cmpi ne, %convert_element_type3A, %cond3A : i32
        scf.if %cond3A_192 {
          "tpu.trace_start"() <{level = 10 : i32, message = "ep_copy_in"}> : () -> ()
          %rem3A_351 = arith.constant 2 : i32
          %rem3A_352 = arith.remui %scan3A_150, %rem3A_351 : i32
          %mul3A_353 = arith.constant 128 : i32
          %mul3A_354 = arith.muli %mul3A_353, %add3A_179 : i32
          %dma_start3A_355 = arith.constant 0 : i32
          %dma_start3A_356 = arith.constant 0 : i32
          %dma_start3A_357 = tpu.memref_slice %run_scoped3A[%rem3A_352, %dma_start3A_355, %dma_start3A_356] : memref<2x1x128xi32, #tpu.memory_space<vmem>> -> memref<1x1x128xi32, #tpu.memory_space<vmem>>
          %dma_start3A_358 = tpu.memref_squeeze %dma_start3A_357 : memref<1x1x128xi32, #tpu.memory_space<vmem>> -> memref<1x128xi32, #tpu.memory_space<vmem>>
          %dma_start3A_359 = arith.constant 0 : i32
          %dma_start3A_360 = tpu.memref_slice %arg2[%dma_start3A_359, %mul3A_354] : memref<1x16384xi32, #tpu.memory_space<hbm>> -> memref<1x128xi32, #tpu.memory_space<hbm>>
          %dma_start3A_361 = tpu.memref_slice %run_scoped3A_7[%rem3A_352] : memref<2x!tpu.dma_semaphore, #tpu.memory_space<semaphore_mem>> -> memref<1x!tpu.dma_semaphore, #tpu.memory_space<semaphore_mem>>
          %dma_start3A_362 = tpu.memref_squeeze %dma_start3A_361 : memref<1x!tpu.dma_semaphore, #tpu.memory_space<semaphore_mem>> -> memref<!tpu.dma_semaphore, #tpu.memory_space<semaphore_mem>>
          %dma_start3A_363 = arith.constant 0 : i32
          %dma_start3A_364 = arith.constant 0 : i32
          %dma_start3A_365 = tpu.memref_slice %run_scoped3A[%rem3A_352, %dma_start3A_363, %dma_start3A_364] : memref<2x1x128xi32, #tpu.memory_space<vmem>> -> memref<1x1x128xi32, #tpu.memory_space<vmem>>
          %dma_start3A_366 = tpu.memref_squeeze %dma_start3A_365 : memref<1x1x128xi32, #tpu.memory_space<vmem>> -> memref<1x128xi32, #tpu.memory_space<vmem>>
          %dma_start3A_367 = arith.constant 0 : i32
          %dma_start3A_368 = tpu.memref_slice %arg2[%dma_start3A_367, %mul3A_354] : memref<1x16384xi32, #tpu.memory_space<hbm>> -> memref<1x128xi32, #tpu.memory_space<hbm>>
          tpu.enqueue_dma source(%dma_start3A_368 : memref<1x128xi32, #tpu.memory_space<hbm>>) target(%dma_start3A_366 : memref<1x128xi32, #tpu.memory_space<vmem>>) target_semaphore(%dma_start3A_362 : memref<!tpu.dma_semaphore, #tpu.memory_space<semaphore_mem>>)
          "tpu.trace_stop"() : () -> ()
        } else {
        }
        %and3A_193 = arith.constant true
        %and3A_194 = arith.andi %and3A, %and3A_193 : i1
        %add3A_195 = arith.constant 1 : i32
        %add3A_196 = arith.addi %scan3A_150, %add3A_195 : i32
        %select_n3A_197 = arith.select %and3A_194, %add3A_196, %scan3A_150 : i32
        %ne3A_198 = arith.cmpi ne, %add3A_161, %add3A_179 : i32
        %or3A_199 = arith.constant false
        %or3A_200 = arith.ori %or3A_199, %ne3A_198 : i1
        %ge3A_201 = arith.constant 3 : i32
        %ge3A_202 = arith.cmpi sge, %scan3A_149, %ge3A_201 : i32
        %not3A_203 = arith.constant true
        %not3A_204 = arith.xori %ge3A_202, %not3A_203 : i1
        %and3A_205 = arith.andi %or3A_200, %not3A_204 : i1
        %convert_element_type3A_206 = arith.extui %and3A_205 : i1 to i32
        %cond3A_207 = arith.constant 0 : i32
        %cond3A_208 = arith.cmpi ne, %convert_element_type3A_206, %cond3A_207 : i32
        scf.if %cond3A_208 {
          "tpu.trace_start"() <{level = 10 : i32, message = "ep_copy_in"}> : () -> ()
          %rem3A_351 = arith.constant 2 : i32
          %rem3A_352 = arith.remui %scan3A_152, %rem3A_351 : i32
          %mul3A_353 = arith.constant 128 : i32
          %mul3A_354 = arith.muli %mul3A_353, %add3A_179 : i32
          %dma_start3A_355 = arith.constant 0 : i32
          %dma_start3A_356 = arith.constant 0 : i32
          %dma_start3A_357 = tpu.memref_slice %run_scoped3A_8[%rem3A_352, %dma_start3A_355, %dma_start3A_356] : memref<2x1x128xi32, #tpu.memory_space<vmem>> -> memref<1x1x128xi32, #tpu.memory_space<vmem>>
          %dma_start3A_358 = tpu.memref_squeeze %dma_start3A_357 : memref<1x1x128xi32, #tpu.memory_space<vmem>> -> memref<1x128xi32, #tpu.memory_space<vmem>>
          %dma_start3A_359 = arith.constant 0 : i32
          %dma_start3A_360 = tpu.memref_slice %arg3[%dma_start3A_359, %mul3A_354] : memref<1x16384xi32, #tpu.memory_space<hbm>> -> memref<1x128xi32, #tpu.memory_space<hbm>>
          %dma_start3A_361 = tpu.memref_slice %run_scoped3A_9[%rem3A_352] : memref<2x!tpu.dma_semaphore, #tpu.memory_space<semaphore_mem>> -> memref<1x!tpu.dma_semaphore, #tpu.memory_space<semaphore_mem>>
          %dma_start3A_362 = tpu.memref_squeeze %dma_start3A_361 : memref<1x!tpu.dma_semaphore, #tpu.memory_space<semaphore_mem>> -> memref<!tpu.dma_semaphore, #tpu.memory_space<semaphore_mem>>
          %dma_start3A_363 = arith.constant 0 : i32
          %dma_start3A_364 = arith.constant 0 : i32
          %dma_start3A_365 = tpu.memref_slice %run_scoped3A_8[%rem3A_352, %dma_start3A_363, %dma_start3A_364] : memref<2x1x128xi32, #tpu.memory_space<vmem>> -> memref<1x1x128xi32, #tpu.memory_space<vmem>>
          %dma_start3A_366 = tpu.memref_squeeze %dma_start3A_365 : memref<1x1x128xi32, #tpu.memory_space<vmem>> -> memref<1x128xi32, #tpu.memory_space<vmem>>
          %dma_start3A_367 = arith.constant 0 : i32
          %dma_start3A_368 = tpu.memref_slice %arg3[%dma_start3A_367, %mul3A_354] : memref<1x16384xi32, #tpu.memory_space<hbm>> -> memref<1x128xi32, #tpu.memory_space<hbm>>
          tpu.enqueue_dma source(%dma_start3A_368 : memref<1x128xi32, #tpu.memory_space<hbm>>) target(%dma_start3A_366 : memref<1x128xi32, #tpu.memory_space<vmem>>) target_semaphore(%dma_start3A_362 : memref<!tpu.dma_semaphore, #tpu.memory_space<semaphore_mem>>)
          "tpu.trace_stop"() : () -> ()
        } else {
        }
        %and3A_209 = arith.constant true
        %and3A_210 = arith.andi %and3A_205, %and3A_209 : i1
        %add3A_211 = arith.constant 1 : i32
        %add3A_212 = arith.addi %scan3A_152, %add3A_211 : i32
        %select_n3A_213 = arith.select %and3A_210, %add3A_212, %scan3A_152 : i32
        %ne3A_214 = arith.cmpi ne, %add3A_161, %add3A_179 : i32
        %or3A_215 = arith.constant false
        %or3A_216 = arith.ori %or3A_215, %ne3A_214 : i1
        %or3A_217 = arith.constant false
        %or3A_218 = arith.ori %or3A_216, %or3A_217 : i1
        %ge3A_219 = arith.constant 3 : i32
        %ge3A_220 = arith.cmpi sge, %scan3A_149, %ge3A_219 : i32
        %not3A_221 = arith.constant true
        %not3A_222 = arith.xori %ge3A_220, %not3A_221 : i1
        %and3A_223 = arith.andi %or3A_218, %not3A_222 : i1
        %ne3A_224 = arith.cmpi ne, %add3A_161, %add3A_170 : i32
        %or3A_225 = arith.constant false
        %or3A_226 = arith.ori %or3A_225, %ne3A_224 : i1
        %or3A_227 = arith.ori %or3A_226, %eq3A_158 : i1
        %convert_element_type3A_228 = arith.extui %or3A_227 : i1 to i32
        %cond3A_229 = arith.constant 0 : i32
        %cond3A_230 = arith.cmpi ne, %convert_element_type3A_228, %cond3A_229 : i32
        scf.if %cond3A_230 {
          "tpu.trace_start"() <{level = 10 : i32, message = "ep_wait_in"}> : () -> ()
          %mul3A_351 = arith.constant 128 : i32
          %mul3A_352 = arith.muli %mul3A_351, %add3A_161 : i32
          %rem3A_353 = arith.constant 2 : i32
          %rem3A_354 = arith.remui %scan3A_151, %rem3A_353 : i32
          %dma_wait3A_355 = arith.constant 0 : i32
          %dma_wait3A_356 = arith.constant 0 : i32
          %dma_wait3A_357 = tpu.memref_slice %run_scoped3A[%rem3A_354, %dma_wait3A_355, %dma_wait3A_356] : memref<2x1x128xi32, #tpu.memory_space<vmem>> -> memref<1x1x128xi32, #tpu.memory_space<vmem>>
          %dma_wait3A_358 = tpu.memref_squeeze %dma_wait3A_357 : memref<1x1x128xi32, #tpu.memory_space<vmem>> -> memref<1x128xi32, #tpu.memory_space<vmem>>
          %dma_wait3A_359 = arith.constant 0 : i32
          %dma_wait3A_360 = tpu.memref_slice %arg2[%dma_wait3A_359, %mul3A_352] : memref<1x16384xi32, #tpu.memory_space<hbm>> -> memref<1x128xi32, #tpu.memory_space<hbm>>
          %dma_wait3A_361 = tpu.memref_slice %run_scoped3A_7[%rem3A_354] : memref<2x!tpu.dma_semaphore, #tpu.memory_space<semaphore_mem>> -> memref<1x!tpu.dma_semaphore, #tpu.memory_space<semaphore_mem>>
          %dma_wait3A_362 = tpu.memref_squeeze %dma_wait3A_361 : memref<1x!tpu.dma_semaphore, #tpu.memory_space<semaphore_mem>> -> memref<!tpu.dma_semaphore, #tpu.memory_space<semaphore_mem>>
          %dma_wait3A_363 = arith.constant 0 : i32
          %dma_wait3A_364 = arith.constant 0 : i32
          %dma_wait3A_365 = tpu.memref_slice %run_scoped3A[%rem3A_354, %dma_wait3A_363, %dma_wait3A_364] : memref<2x1x128xi32, #tpu.memory_space<vmem>> -> memref<1x1x128xi32, #tpu.memory_space<vmem>>
          %dma_wait3A_366 = tpu.memref_squeeze %dma_wait3A_365 : memref<1x1x128xi32, #tpu.memory_space<vmem>> -> memref<1x128xi32, #tpu.memory_space<vmem>>
          %dma_wait3A_367 = arith.constant 0 : i32
          %dma_wait3A_368 = tpu.memref_slice %arg2[%dma_wait3A_367, %mul3A_352] : memref<1x16384xi32, #tpu.memory_space<hbm>> -> memref<1x128xi32, #tpu.memory_space<hbm>>
          tpu.wait_dma2 semaphore(%dma_wait3A_362 : memref<!tpu.dma_semaphore, #tpu.memory_space<semaphore_mem>>) src(%dma_wait3A_368 : memref<1x128xi32, #tpu.memory_space<hbm>>) dst(%dma_wait3A_366 : memref<1x128xi32, #tpu.memory_space<vmem>>)
          "tpu.trace_stop"() : () -> ()
        } else {
        }
        %ne3A_231 = arith.cmpi ne, %add3A_161, %add3A_170 : i32
        %or3A_232 = arith.constant false
        %or3A_233 = arith.ori %or3A_232, %ne3A_231 : i1
        %or3A_234 = arith.ori %or3A_233, %eq3A_158 : i1
        %convert_element_type3A_235 = arith.extui %or3A_234 : i1 to i32
        %cond3A_236 = arith.constant 0 : i32
        %cond3A_237 = arith.cmpi ne, %convert_element_type3A_235, %cond3A_236 : i32
        scf.if %cond3A_237 {
          "tpu.trace_start"() <{level = 10 : i32, message = "ep_wait_in"}> : () -> ()
          %mul3A_351 = arith.constant 128 : i32
          %mul3A_352 = arith.muli %mul3A_351, %add3A_161 : i32
          %rem3A_353 = arith.constant 2 : i32
          %rem3A_354 = arith.remui %scan3A_153, %rem3A_353 : i32
          %dma_wait3A_355 = arith.constant 0 : i32
          %dma_wait3A_356 = arith.constant 0 : i32
          %dma_wait3A_357 = tpu.memref_slice %run_scoped3A_8[%rem3A_354, %dma_wait3A_355, %dma_wait3A_356] : memref<2x1x128xi32, #tpu.memory_space<vmem>> -> memref<1x1x128xi32, #tpu.memory_space<vmem>>
          %dma_wait3A_358 = tpu.memref_squeeze %dma_wait3A_357 : memref<1x1x128xi32, #tpu.memory_space<vmem>> -> memref<1x128xi32, #tpu.memory_space<vmem>>
          %dma_wait3A_359 = arith.constant 0 : i32
          %dma_wait3A_360 = tpu.memref_slice %arg3[%dma_wait3A_359, %mul3A_352] : memref<1x16384xi32, #tpu.memory_space<hbm>> -> memref<1x128xi32, #tpu.memory_space<hbm>>
          %dma_wait3A_361 = tpu.memref_slice %run_scoped3A_9[%rem3A_354] : memref<2x!tpu.dma_semaphore, #tpu.memory_space<semaphore_mem>> -> memref<1x!tpu.dma_semaphore, #tpu.memory_space<semaphore_mem>>
          %dma_wait3A_362 = tpu.memref_squeeze %dma_wait3A_361 : memref<1x!tpu.dma_semaphore, #tpu.memory_space<semaphore_mem>> -> memref<!tpu.dma_semaphore, #tpu.memory_space<semaphore_mem>>
          %dma_wait3A_363 = arith.constant 0 : i32
          %dma_wait3A_364 = arith.constant 0 : i32
          %dma_wait3A_365 = tpu.memref_slice %run_scoped3A_8[%rem3A_354, %dma_wait3A_363, %dma_wait3A_364] : memref<2x1x128xi32, #tpu.memory_space<vmem>> -> memref<1x1x128xi32, #tpu.memory_space<vmem>>
          %dma_wait3A_366 = tpu.memref_squeeze %dma_wait3A_365 : memref<1x1x128xi32, #tpu.memory_space<vmem>> -> memref<1x128xi32, #tpu.memory_space<vmem>>
          %dma_wait3A_367 = arith.constant 0 : i32
          %dma_wait3A_368 = tpu.memref_slice %arg3[%dma_wait3A_367, %mul3A_352] : memref<1x16384xi32, #tpu.memory_space<hbm>> -> memref<1x128xi32, #tpu.memory_space<hbm>>
          tpu.wait_dma2 semaphore(%dma_wait3A_362 : memref<!tpu.dma_semaphore, #tpu.memory_space<semaphore_mem>>) src(%dma_wait3A_368 : memref<1x128xi32, #tpu.memory_space<hbm>>) dst(%dma_wait3A_366 : memref<1x128xi32, #tpu.memory_space<vmem>>)
          "tpu.trace_stop"() : () -> ()
        } else {
        }
        %ne3A_238 = arith.cmpi ne, %add3A_161, %add3A_170 : i32
        %or3A_239 = arith.constant false
        %or3A_240 = arith.ori %or3A_239, %ne3A_238 : i1
        %or3A_241 = arith.constant false
        %or3A_242 = arith.ori %or3A_240, %or3A_241 : i1
        %or3A_243 = arith.ori %or3A_242, %eq3A_158 : i1
        %convert_element_type3A_244 = arith.extui %or3A_243 : i1 to i32
        %cond3A_245 = arith.constant 0 : i32
        %cond3A_246 = arith.cmpi ne, %convert_element_type3A_244, %cond3A_245 : i32
        scf.if %cond3A_246 {
        } else {
        }
        %rem3A_247 = arith.constant 2 : i32
        %rem3A_248 = arith.remui %scan3A_151, %rem3A_247 : i32
        %rem3A_249 = arith.constant 2 : i32
        %rem3A_250 = arith.remui %scan3A_153, %rem3A_249 : i32
        %rem3A_251 = arith.constant 2 : i32
        %rem3A_252 = arith.remui %scan3A_154, %rem3A_251 : i32
        "tpu.trace_start"() <{level = 10 : i32, message = "ep_run_kernel"}> : () -> ()
        %scan3A_253 = arith.constant 0 : i32
        %scan3A_254 = arith.constant 8 : i32
        %scan3A_255 = arith.addi %scan3A_253, %scan3A_254 : i32
        %scan3A_256 = arith.constant 1 : i32
        scf.for %scan3A_351 = %scan3A_253 to %scan3A_255 step %scan3A_256  : i32 {
          %mul3A_352 = arith.constant 16 : i32
          %mul3A_353 = arith.muli %scan3A_351, %mul3A_352 : i32
          %add3A_354 = arith.constant 0 : i32
          %add3A_355 = arith.addi %add3A_354, %mul3A_353 : i32
          %get3A = arith.constant 0 : i32
          %get3A_356 = arith.constant 0 : i32
          %get3A_357 = tpu.memref_slice %run_scoped3A[%rem3A_248, %get3A, %get3A_356] : memref<2x1x128xi32, #tpu.memory_space<vmem>> -> memref<1x1x128xi32, #tpu.memory_space<vmem>>
          %get3A_358 = tpu.memref_squeeze %get3A_357 : memref<1x1x128xi32, #tpu.memory_space<vmem>> -> memref<1x128xi32, #tpu.memory_space<vmem>>
          %get3A_359 = arith.constant 0 : index
          %get3A_360 = arith.index_cast %add3A_355 : i32 to index
          %get3A_361 = tpu.vector_load %get3A_358[%get3A_359, %get3A_360] {strides = array<i32>} : memref<1x128xi32, #tpu.memory_space<vmem>>, vector<1x16xi32>,
          %get3A_362 = vector.shape_cast %get3A_361 : vector<1x16xi32> to vector<1x16xi32>
          %mul3A_363 = arith.constant 3 : i32
          %mul3A_364 = vector.broadcast %mul3A_363 : i32 to vector<1x16xi32>
          %mul3A_365 = arith.muli %get3A_362, %mul3A_364 : vector<1x16xi32>
          %get3A_366 = arith.constant 0 : i32
          %get3A_367 = arith.constant 0 : i32
          %get3A_368 = tpu.memref_slice %run_scoped3A_8[%rem3A_250, %get3A_366, %get3A_367] : memref<2x1x128xi32, #tpu.memory_space<vmem>> -> memref<1x1x128xi32, #tpu.memory_space<vmem>>
          %get3A_369 = tpu.memref_squeeze %get3A_368 : memref<1x1x128xi32, #tpu.memory_space<vmem>> -> memref<1x128xi32, #tpu.memory_space<vmem>>
          %get3A_370 = arith.constant 0 : index
          %get3A_371 = arith.index_cast %add3A_355 : i32 to index
          %get3A_372 = tpu.vector_load %get3A_369[%get3A_370, %get3A_371] {strides = array<i32>} : memref<1x128xi32, #tpu.memory_space<vmem>>, vector<1x16xi32>,
          %get3A_373 = vector.shape_cast %get3A_372 : vector<1x16xi32> to vector<1x16xi32>
          %add3A_374 = arith.addi %mul3A_365, %get3A_373 : vector<1x16xi32>
          %ge3A_375 = arith.constant 204800 : i32
          %ge3A_376 = vector.broadcast %ge3A_375 : i32 to vector<1x16xi32>
          %ge3A_377 = arith.cmpi sge, %add3A_374, %ge3A_376 : vector<1x16xi32>
          %sub3A_378 = arith.constant 204800 : i32
          %sub3A_379 = vector.broadcast %sub3A_378 : i32 to vector<1x16xi32>
          %sub3A_380 = arith.subi %add3A_374, %sub3A_379 : vector<1x16xi32>
          %select_n3A_381 = arith.select %ge3A_377, %sub3A_380, %add3A_374 : vector<1x16xi1>, vector<1x16xi32>
          %swap3A = arith.constant 0 : index
          %swap3A_382 = arith.index_cast %add3A_355 : i32 to index
          %swap3A_383 = tpu.vector_load %arg6[%swap3A, %swap3A_382] {strides = array<i32>} : memref<1x128xi32, #tpu.memory_space<vmem>>, vector<1x16xi32>,
          %swap3A_384 = vector.shape_cast %swap3A_383 : vector<1x16xi32> to vector<1x16xi32>
          %swap3A_385 = vector.shape_cast %select_n3A_381 : vector<1x16xi32> to vector<1x16xi32>
          tpu.vector_store %arg6[%swap3A, %swap3A_382], %swap3A_385 {strides = array<i32>} : memref<1x128xi32, #tpu.memory_space<vmem>>, vector<1x16xi32>,
        }
        %scan3A_257 = arith.constant 8 : i32
        %run_scoped3A_258 = arith.constant 0 : i32
        "tpu.region"() ({
          %run_scoped3A_351 = tpu.sem_alloc : memref<!tpu.dma_semaphore, #tpu.memory_space<semaphore_mem>>
          %dma_start3A_352 = arith.constant 0 : i32
          %dma_start3A_353 = arith.constant 0 : i32
          %dma_start3A_354 = tpu.memref_slice %run_scoped3A_10[%rem3A_252, %dma_start3A_352, %dma_start3A_353] : memref<2x128x128xf32, #tpu.memory_space<vmem>> -> memref<1x128x128xf32, #tpu.memory_space<vmem>>
          %dma_start3A_355 = tpu.memref_squeeze %dma_start3A_354 : memref<1x128x128xf32, #tpu.memory_space<vmem>> -> memref<128x128xf32, #tpu.memory_space<vmem>>
          %dma_start3A_356 = arith.constant 0 : i32
          %dma_start3A_357 = tpu.memref_slice %arg6[%run_scoped3A_258, %dma_start3A_356] : memref<1x128xi32, #tpu.memory_space<vmem>> -> memref<1x128xi32, #tpu.memory_space<vmem>>
          %dma_start3A_358 = tpu.memref_squeeze %dma_start3A_357 : memref<1x128xi32, #tpu.memory_space<vmem>> -> memref<128xi32, #tpu.memory_space<vmem>>
          %dma_start3A_359 = arith.constant 0 : i32
          %dma_start3A_360 = arith.constant 0 : i32
          %dma_start3A_361 = tpu.memref_slice %arg4[%dma_start3A_359, %dma_start3A_360] : memref<204800x128xf32, #tpu.memory_space<hbm>> -> memref<204800x128xf32, #tpu.memory_space<hbm>>
          tpu.enqueue_indirect_dma source(%dma_start3A_361 : memref<204800x128xf32, #tpu.memory_space<hbm>>) target(%dma_start3A_355 : memref<128x128xf32, #tpu.memory_space<vmem>>) offsets(%dma_start3A_358 : memref<128xi32, #tpu.memory_space<vmem>>) semaphore(%run_scoped3A_351 : memref<!tpu.dma_semaphore, #tpu.memory_space<semaphore_mem>>)
          %dma_wait3A_362 = arith.constant 0 : i32
          %dma_wait3A_363 = arith.constant 0 : i32
          %dma_wait3A_364 = tpu.memref_slice %run_scoped3A_10[%rem3A_252, %dma_wait3A_362, %dma_wait3A_363] : memref<2x128x128xf32, #tpu.memory_space<vmem>> -> memref<1x128x128xf32, #tpu.memory_space<vmem>>
          %dma_wait3A_365 = tpu.memref_squeeze %dma_wait3A_364 : memref<1x128x128xf32, #tpu.memory_space<vmem>> -> memref<128x128xf32, #tpu.memory_space<vmem>>
          %dma_wait3A_366 = arith.constant 0 : i32
          %dma_wait3A_367 = tpu.memref_slice %arg6[%run_scoped3A_258, %dma_wait3A_366] : memref<1x128xi32, #tpu.memory_space<vmem>> -> memref<1x128xi32, #tpu.memory_space<vmem>>
          %dma_wait3A_368 = tpu.memref_squeeze %dma_wait3A_367 : memref<1x128xi32, #tpu.memory_space<vmem>> -> memref<128xi32, #tpu.memory_space<vmem>>
          %dma_wait3A_369 = arith.constant 0 : i32
          %dma_wait3A_370 = arith.constant 0 : i32
          %dma_wait3A_371 = tpu.memref_slice %arg4[%dma_wait3A_369, %dma_wait3A_370] : memref<204800x128xf32, #tpu.memory_space<hbm>> -> memref<204800x128xf32, #tpu.memory_space<hbm>>
          tpu.wait_indirect_dma semaphore(%run_scoped3A_351 : memref<!tpu.dma_semaphore, #tpu.memory_space<semaphore_mem>>) src(%dma_wait3A_371 : memref<204800x128xf32, #tpu.memory_space<hbm>>) dst(%dma_wait3A_365 : memref<128x128xf32, #tpu.memory_space<vmem>>)
          tpu.yield
        }) : () -> ()
        "tpu.trace_stop"() : () -> ()
        %ne3A_259 = arith.cmpi ne, %add3A_161, %add3A_179 : i32
        %or3A_260 = arith.constant false
        %or3A_261 = arith.ori %or3A_260, %ne3A_259 : i1
        %or3A_262 = arith.ori %or3A_261, %eq3A_160 : i1
        %convert_element_type3A_263 = arith.extui %or3A_262 : i1 to i32
        %cond3A_264 = arith.constant 0 : i32
        %cond3A_265 = arith.cmpi ne, %convert_element_type3A_263, %cond3A_264 : i32
        scf.if %cond3A_265 {
        } else {
        }
        %and3A_266 = arith.constant false
        %and3A_267 = arith.andi %or3A_262, %and3A_266 : i1
        %ne3A_268 = arith.cmpi ne, %add3A_161, %add3A_179 : i32
        %or3A_269 = arith.constant false
        %or3A_270 = arith.ori %or3A_269, %ne3A_268 : i1
        %or3A_271 = arith.ori %or3A_270, %eq3A_160 : i1
        %convert_element_type3A_272 = arith.extui %or3A_271 : i1 to i32
        %cond3A_273 = arith.constant 0 : i32
        %cond3A_274 = arith.cmpi ne, %convert_element_type3A_272, %cond3A_273 : i32
        scf.if %cond3A_274 {
        } else {
        }
        %and3A_275 = arith.constant false
        %and3A_276 = arith.andi %or3A_271, %and3A_275 : i1
        %ne3A_277 = arith.cmpi ne, %add3A_161, %add3A_179 : i32
        %or3A_278 = arith.constant false
        %or3A_279 = arith.ori %or3A_278, %ne3A_277 : i1
        %or3A_280 = arith.constant false
        %or3A_281 = arith.ori %or3A_279, %or3A_280 : i1
        %or3A_282 = arith.ori %or3A_281, %eq3A_160 : i1
        %convert_element_type3A_283 = arith.extui %or3A_282 : i1 to i32
        %cond3A_284 = arith.constant 0 : i32
        %cond3A_285 = arith.cmpi ne, %convert_element_type3A_283, %cond3A_284 : i32
        scf.if %cond3A_285 {
          "tpu.trace_start"() <{level = 10 : i32, message = "ep_copy_out"}> : () -> ()
          %rem3A_351 = arith.constant 2 : i32
          %rem3A_352 = arith.remui %scan3A_154, %rem3A_351 : i32
          %mul3A_353 = arith.constant 128 : i32
          %mul3A_354 = arith.muli %mul3A_353, %add3A_161 : i32
          %dma_start3A_355 = arith.constant 0 : i32
          %dma_start3A_356 = arith.constant 0 : i32
          %dma_start3A_357 = tpu.memref_slice %run_scoped3A_10[%rem3A_352, %dma_start3A_355, %dma_start3A_356] : memref<2x128x128xf32, #tpu.memory_space<vmem>> -> memref<1x128x128xf32, #tpu.memory_space<vmem>>
          %dma_start3A_358 = tpu.memref_squeeze %dma_start3A_357 : memref<1x128x128xf32, #tpu.memory_space<vmem>> -> memref<128x128xf32, #tpu.memory_space<vmem>>
          %dma_start3A_359 = arith.constant 0 : i32
          %dma_start3A_360 = tpu.memref_slice %arg5[%mul3A_354, %dma_start3A_359] : memref<16384x128xf32, #tpu.memory_space<hbm>> -> memref<128x128xf32, #tpu.memory_space<hbm>>
          %dma_start3A_361 = tpu.memref_slice %run_scoped3A_11[%rem3A_352] : memref<2x!tpu.dma_semaphore, #tpu.memory_space<semaphore_mem>> -> memref<1x!tpu.dma_semaphore, #tpu.memory_space<semaphore_mem>>
          %dma_start3A_362 = tpu.memref_squeeze %dma_start3A_361 : memref<1x!tpu.dma_semaphore, #tpu.memory_space<semaphore_mem>> -> memref<!tpu.dma_semaphore, #tpu.memory_space<semaphore_mem>>
          %dma_start3A_363 = arith.constant 0 : i32
          %dma_start3A_364 = tpu.memref_slice %arg5[%mul3A_354, %dma_start3A_363] : memref<16384x128xf32, #tpu.memory_space<hbm>> -> memref<128x128xf32, #tpu.memory_space<hbm>>
          %dma_start3A_365 = arith.constant 0 : i32
          %dma_start3A_366 = arith.constant 0 : i32
          %dma_start3A_367 = tpu.memref_slice %run_scoped3A_10[%rem3A_352, %dma_start3A_365, %dma_start3A_366] : memref<2x128x128xf32, #tpu.memory_space<vmem>> -> memref<1x128x128xf32, #tpu.memory_space<vmem>>
          %dma_start3A_368 = tpu.memref_squeeze %dma_start3A_367 : memref<1x128x128xf32, #tpu.memory_space<vmem>> -> memref<128x128xf32, #tpu.memory_space<vmem>>
          tpu.enqueue_dma source(%dma_start3A_368 : memref<128x128xf32, #tpu.memory_space<vmem>>) target(%dma_start3A_364 : memref<128x128xf32, #tpu.memory_space<hbm>>) target_semaphore(%dma_start3A_362 : memref<!tpu.dma_semaphore, #tpu.memory_space<semaphore_mem>>)
          "tpu.trace_stop"() : () -> ()
        } else {
        }
        %and3A_286 = arith.constant true
        %and3A_287 = arith.andi %or3A_282, %and3A_286 : i1
        %add3A_288 = arith.constant 1 : i32
        %add3A_289 = arith.addi %scan3A_154, %add3A_288 : i32
        %select_n3A_290 = arith.select %and3A_287, %add3A_289, %scan3A_154 : i32
        %ne3A_291 = arith.cmpi ne, %add3A_161, %add3A_170 : i32
        %or3A_292 = arith.constant false
        %or3A_293 = arith.ori %or3A_292, %ne3A_291 : i1
        %not3A_294 = arith.constant true
        %not3A_295 = arith.xori %eq3A_158, %not3A_294 : i1
        %and3A_296 = arith.andi %or3A_293, %not3A_295 : i1
        %convert_element_type3A_297 = arith.extui %and3A_296 : i1 to i32
        %cond3A_298 = arith.constant 0 : i32
        %cond3A_299 = arith.cmpi ne, %convert_element_type3A_297, %cond3A_298 : i32
        scf.if %cond3A_299 {
        } else {
        }
        %and3A_300 = arith.constant false
        %and3A_301 = arith.andi %and3A_296, %and3A_300 : i1
        %ne3A_302 = arith.cmpi ne, %add3A_161, %add3A_170 : i32
        %or3A_303 = arith.constant false
        %or3A_304 = arith.ori %or3A_303, %ne3A_302 : i1
        %not3A_305 = arith.constant true
        %not3A_306 = arith.xori %eq3A_158, %not3A_305 : i1
        %and3A_307 = arith.andi %or3A_304, %not3A_306 : i1
        %convert_element_type3A_308 = arith.extui %and3A_307 : i1 to i32
        %cond3A_309 = arith.constant 0 : i32
        %cond3A_310 = arith.cmpi ne, %convert_element_type3A_308, %cond3A_309 : i32
        scf.if %cond3A_310 {
        } else {
        }
        %and3A_311 = arith.constant false
        %and3A_312 = arith.andi %and3A_307, %and3A_311 : i1
        %ne3A_313 = arith.cmpi ne, %add3A_161, %add3A_170 : i32
        %or3A_314 = arith.constant false
        %or3A_315 = arith.ori %or3A_314, %ne3A_313 : i1
        %or3A_316 = arith.constant false
        %or3A_317 = arith.ori %or3A_315, %or3A_316 : i1
        %not3A_318 = arith.constant true
        %not3A_319 = arith.xori %eq3A_158, %not3A_318 : i1
        %and3A_320 = arith.andi %or3A_317, %not3A_319 : i1
        %convert_element_type3A_321 = arith.extui %and3A_320 : i1 to i32
        %cond3A_322 = arith.constant 0 : i32
        %cond3A_323 = arith.cmpi ne, %convert_element_type3A_321, %cond3A_322 : i32
        scf.if %cond3A_323 {
          "tpu.trace_start"() <{level = 10 : i32, message = "ep_wait_out"}> : () -> ()
          %rem3A_351 = arith.constant 2 : i32
          %rem3A_352 = arith.remui %scan3A_155, %rem3A_351 : i32
          %mul3A_353 = arith.constant 128 : i32
          %mul3A_354 = arith.muli %mul3A_353, %add3A_170 : i32
          %dma_wait3A_355 = arith.constant 0 : i32
          %dma_wait3A_356 = arith.constant 0 : i32
          %dma_wait3A_357 = tpu.memref_slice %run_scoped3A_10[%rem3A_352, %dma_wait3A_355, %dma_wait3A_356] : memref<2x128x128xf32, #tpu.memory_space<vmem>> -> memref<1x128x128xf32, #tpu.memory_space<vmem>>
          %dma_wait3A_358 = tpu.memref_squeeze %dma_wait3A_357 : memref<1x128x128xf32, #tpu.memory_space<vmem>> -> memref<128x128xf32, #tpu.memory_space<vmem>>
          %dma_wait3A_359 = arith.constant 0 : i32
          %dma_wait3A_360 = tpu.memref_slice %arg5[%mul3A_354, %dma_wait3A_359] : memref<16384x128xf32, #tpu.memory_space<hbm>> -> memref<128x128xf32, #tpu.memory_space<hbm>>
          %dma_wait3A_361 = tpu.memref_slice %run_scoped3A_11[%rem3A_352] : memref<2x!tpu.dma_semaphore, #tpu.memory_space<semaphore_mem>> -> memref<1x!tpu.dma_semaphore, #tpu.memory_space<semaphore_mem>>
          %dma_wait3A_362 = tpu.memref_squeeze %dma_wait3A_361 : memref<1x!tpu.dma_semaphore, #tpu.memory_space<semaphore_mem>> -> memref<!tpu.dma_semaphore, #tpu.memory_space<semaphore_mem>>
          %dma_wait3A_363 = arith.constant 0 : i32
          %dma_wait3A_364 = tpu.memref_slice %arg5[%mul3A_354, %dma_wait3A_363] : memref<16384x128xf32, #tpu.memory_space<hbm>> -> memref<128x128xf32, #tpu.memory_space<hbm>>
          %dma_wait3A_365 = arith.constant 0 : i32
          %dma_wait3A_366 = arith.constant 0 : i32
          %dma_wait3A_367 = tpu.memref_slice %run_scoped3A_10[%rem3A_352, %dma_wait3A_365, %dma_wait3A_366] : memref<2x128x128xf32, #tpu.memory_space<vmem>> -> memref<1x128x128xf32, #tpu.memory_space<vmem>>
          %dma_wait3A_368 = tpu.memref_squeeze %dma_wait3A_367 : memref<1x128x128xf32, #tpu.memory_space<vmem>> -> memref<128x128xf32, #tpu.memory_space<vmem>>
          tpu.wait_dma2 semaphore(%dma_wait3A_362 : memref<!tpu.dma_semaphore, #tpu.memory_space<semaphore_mem>>) src(%dma_wait3A_368 : memref<128x128xf32, #tpu.memory_space<vmem>>) dst(%dma_wait3A_364 : memref<128x128xf32, #tpu.memory_space<hbm>>)
          "tpu.trace_stop"() : () -> ()
        } else {
        }
        %and3A_324 = arith.constant true
        %and3A_325 = arith.andi %and3A_320, %and3A_324 : i1
        %add3A_326 = arith.constant 1 : i32
        %add3A_327 = arith.addi %scan3A_155, %add3A_326 : i32
        %select_n3A_328 = arith.select %and3A_325, %add3A_327, %scan3A_155 : i32
        %ne3A_329 = arith.cmpi ne, %add3A_161, %add3A_179 : i32
        %or3A_330 = arith.constant false
        %or3A_331 = arith.ori %or3A_330, %ne3A_329 : i1
        %or3A_332 = arith.ori %or3A_331, %eq3A_160 : i1
        %add3A_333 = arith.constant 1 : i32
        %add3A_334 = arith.addi %scan3A_151, %add3A_333 : i32
        %select_n3A_335 = arith.select %or3A_332, %add3A_334, %scan3A_151 : i32
        %ne3A_336 = arith.cmpi ne, %add3A_161, %add3A_179 : i32
        %or3A_337 = arith.constant false
        %or3A_338 = arith.ori %or3A_337, %ne3A_336 : i1
        %or3A_339 = arith.ori %or3A_338, %eq3A_160 : i1
        %add3A_340 = arith.constant 1 : i32
        %add3A_341 = arith.addi %scan3A_153, %add3A_340 : i32
        %select_n3A_342 = arith.select %or3A_339, %add3A_341, %scan3A_153 : i32
        %add3A_343 = arith.constant 1 : i32
        %add3A_344 = arith.addi %scan3A_156, %add3A_343 : i32
        %select_n3A_345 = arith.constant true
        %select_n3A_346 = arith.select %select_n3A_345, %add3A_344, %scan3A_156 : i32
        %eq3A_347 = arith.constant 4 : i32
        %eq3A_348 = arith.cmpi eq, %select_n3A_346, %eq3A_347 : i32
        %select_n3A_349 = arith.constant 0 : i32
        %select_n3A_350 = arith.select %eq3A_348, %select_n3A_349, %select_n3A_346 : i32
        scf.yield %select_n3A_197, %select_n3A_335, %select_n3A_213, %select_n3A_342, %select_n3A_290, %select_n3A_328, %select_n3A_350 : i32, i32, i32, i32, i32, i32, i32
      }
      %scan3A_96 = arith.constant 4 : i32
      %sub3A = arith.constant 1 : i32
      %sub3A_97 = arith.subi %scan3A_95#6, %sub3A : i32
      %select_n3A_98 = arith.constant true
      %select_n3A_99 = arith.select %select_n3A_98, %sub3A_97, %scan3A_95#6 : i32
      %eq3A_100 = arith.constant -1 : i32
      %eq3A_101 = arith.cmpi eq, %select_n3A_99, %eq3A_100 : i32
      %select_n3A_102 = arith.constant 3 : i32
      %select_n3A_103 = arith.select %eq3A_101, %select_n3A_102, %select_n3A_99 : i32
      %add3A_104 = arith.addi %select_n3A_103, %mul3A_6 : i32
      %sub3A_105 = arith.constant 1 : i32
      %sub3A_106 = arith.subi %select_n3A_103, %sub3A_105 : i32
      %select_n3A_107 = arith.constant true
      %select_n3A_108 = arith.select %select_n3A_107, %sub3A_106, %select_n3A_103 : i32
      %eq3A_109 = arith.constant -1 : i32
      %eq3A_110 = arith.cmpi eq, %select_n3A_108, %eq3A_109 : i32
      %select_n3A_111 = arith.constant 3 : i32
      %select_n3A_112 = arith.select %eq3A_110, %select_n3A_111, %select_n3A_108 : i32
      %add3A_113 = arith.addi %select_n3A_112, %mul3A_6 : i32
      %add3A_114 = arith.constant 1 : i32
      %add3A_115 = arith.addi %select_n3A_103, %add3A_114 : i32
      %select_n3A_116 = arith.constant true
      %select_n3A_117 = arith.select %select_n3A_116, %add3A_115, %select_n3A_103 : i32
      %eq3A_118 = arith.constant 4 : i32
      %eq3A_119 = arith.cmpi eq, %select_n3A_117, %eq3A_118 : i32
      %select_n3A_120 = arith.constant 0 : i32
      %select_n3A_121 = arith.select %eq3A_119, %select_n3A_120, %select_n3A_117 : i32
      %add3A_122 = arith.addi %select_n3A_121, %mul3A_6 : i32
      %add3A_123 = arith.constant 1 : i32
      %add3A_124 = arith.addi %select_n3A_121, %add3A_123 : i32
      %select_n3A_125 = arith.constant true
      %select_n3A_126 = arith.select %select_n3A_125, %add3A_124, %select_n3A_121 : i32
      %eq3A_127 = arith.constant 4 : i32
      %eq3A_128 = arith.cmpi eq, %select_n3A_126, %eq3A_127 : i32
      %select_n3A_129 = arith.constant 0 : i32
      %select_n3A_130 = arith.select %eq3A_128, %select_n3A_129, %select_n3A_126 : i32
      %add3A_131 = arith.addi %select_n3A_130, %mul3A_6 : i32
      "tpu.trace_start"() <{level = 10 : i32, message = "ep_finalize"}> : () -> ()
      %rem3A_132 = arith.constant 2 : i32
      %rem3A_133 = arith.remui %scan3A_95#5, %rem3A_132 : i32
      %mul3A_134 = arith.constant 128 : i32
      %mul3A_135 = arith.muli %mul3A_134, %add3A_104 : i32
      %dma_wait3A = arith.constant 0 : i32
      %dma_wait3A_136 = arith.constant 0 : i32
      %dma_wait3A_137 = tpu.memref_slice %run_scoped3A_10[%rem3A_133, %dma_wait3A, %dma_wait3A_136] : memref<2x128x128xf32, #tpu.memory_space<vmem>> -> memref<1x128x128xf32, #tpu.memory_space<vmem>>
      %dma_wait3A_138 = tpu.memref_squeeze %dma_wait3A_137 : memref<1x128x128xf32, #tpu.memory_space<vmem>> -> memref<128x128xf32, #tpu.memory_space<vmem>>
      %dma_wait3A_139 = arith.constant 0 : i32
      %dma_wait3A_140 = tpu.memref_slice %arg5[%mul3A_135, %dma_wait3A_139] : memref<16384x128xf32, #tpu.memory_space<hbm>> -> memref<128x128xf32, #tpu.memory_space<hbm>>
      %dma_wait3A_141 = tpu.memref_slice %run_scoped3A_11[%rem3A_133] : memref<2x!tpu.dma_semaphore, #tpu.memory_space<semaphore_mem>> -> memref<1x!tpu.dma_semaphore, #tpu.memory_space<semaphore_mem>>
      %dma_wait3A_142 = tpu.memref_squeeze %dma_wait3A_141 : memref<1x!tpu.dma_semaphore, #tpu.memory_space<semaphore_mem>> -> memref<!tpu.dma_semaphore, #tpu.memory_space<semaphore_mem>>
      %dma_wait3A_143 = arith.constant 0 : i32
      %dma_wait3A_144 = tpu.memref_slice %arg5[%mul3A_135, %dma_wait3A_143] : memref<16384x128xf32, #tpu.memory_space<hbm>> -> memref<128x128xf32, #tpu.memory_space<hbm>>
      %dma_wait3A_145 = arith.constant 0 : i32
      %dma_wait3A_146 = arith.constant 0 : i32
      %dma_wait3A_147 = tpu.memref_slice %run_scoped3A_10[%rem3A_133, %dma_wait3A_145, %dma_wait3A_146] : memref<2x128x128xf32, #tpu.memory_space<vmem>> -> memref<1x128x128xf32, #tpu.memory_space<vmem>>
      %dma_wait3A_148 = tpu.memref_squeeze %dma_wait3A_147 : memref<1x128x128xf32, #tpu.memory_space<vmem>> -> memref<128x128xf32, #tpu.memory_space<vmem>>
      tpu.wait_dma2 semaphore(%dma_wait3A_142 : memref<!tpu.dma_semaphore, #tpu.memory_space<semaphore_mem>>) src(%dma_wait3A_148 : memref<128x128xf32, #tpu.memory_space<vmem>>) dst(%dma_wait3A_144 : memref<128x128xf32, #tpu.memory_space<hbm>>)
      "tpu.trace_stop"() : () -> ()
      tpu.yield
    }) : () -> ()
    return
  }
}

module attributes {stable_mosaic.version = 14 : i64} {
  func.func @body(%arg0: i32, %arg1: memref<64x12800xf32, #tpu.memory_space<vmem>>, %arg2: memref<64x12800xf32, #tpu.memory_space<vmem>>, %arg3: memref<12800x128xf32, #tpu.memory_space<vmem>>) attributes {dimension_semantics = [#tpu.dimension_semantics<parallel>], iteration_bounds = array<i64: 16>, scalar_prefetch = 0 : i64, scratch_operands = 0 : i64, tpu.core_type = #tpu.core_type<tc>, window_params = [{transform_indices = @transform_0, window_bounds = array<i64: 64, 12800>}, {transform_indices = @transform_1, window_bounds = array<i64: 64, 12800>}, {transform_indices = @transform_2, window_bounds = array<i64: 12800, 128>}]} {
    %get3A = arith.constant 0 : index
    %get3A_0 = arith.constant 0 : index
    %get3A_1 = vector.load %arg1[%get3A, %get3A_0] : memref<64x12800xf32, #tpu.memory_space<vmem>>, vector<64x12800xf32>
    %transpose3A = tpu.transpose %get3A_1, [1, 0] : vector<64x12800xf32> -> vector<12800x64xf32>
    %swap3A = arith.constant 0 : index
    %swap3A_2 = arith.constant 0 : index
    %swap3A_3 = vector.load %arg3[%swap3A, %swap3A_2] : memref<12800x128xf32, #tpu.memory_space<vmem>>, vector<12800x64xf32>
    tpu.vector_store %arg3[%swap3A, %swap3A_2], %transpose3A {strides = array<i32>} : memref<12800x128xf32, #tpu.memory_space<vmem>>, vector<12800x64xf32>,
    %get3A_4 = arith.constant 0 : index
    %get3A_5 = arith.constant 0 : index
    %get3A_6 = vector.load %arg2[%get3A_4, %get3A_5] : memref<64x12800xf32, #tpu.memory_space<vmem>>, vector<64x12800xf32>
    %transpose3A_7 = tpu.transpose %get3A_6, [1, 0] : vector<64x12800xf32> -> vector<12800x64xf32>
    %swap3A_8 = arith.constant 0 : index
    %swap3A_9 = arith.constant 64 : index
    %swap3A_10 = vector.load %arg3[%swap3A_8, %swap3A_9] : memref<12800x128xf32, #tpu.memory_space<vmem>>, vector<12800x64xf32>
    tpu.vector_store %arg3[%swap3A_8, %swap3A_9], %transpose3A_7 {strides = array<i32>} : memref<12800x128xf32, #tpu.memory_space<vmem>>, vector<12800x64xf32>,
    return
  }
  func.func @transform_0(%arg0: i32) -> (i32, i32) {
    %c0_i32 = arith.constant 0 : i32
    %c0_i32_0 = arith.constant 0 : i32
    return %c0_i32, %arg0 : i32, i32
  }
  func.func @transform_1(%arg0: i32) -> (i32, i32) {
    %add3A = arith.constant 16 : i32
    %add3A_0 = arith.addi %arg0, %add3A : i32
    %c0_i32 = arith.constant 0 : i32
    %c0_i32_1 = arith.constant 0 : i32
    return %c0_i32, %add3A_0 : i32, i32
  }
  func.func @transform_2(%arg0: i32) -> (i32, i32) {
    %c0_i32 = arith.constant 0 : i32
    %c0_i32_0 = arith.constant 0 : i32
    return %arg0, %c0_i32 : i32, i32
  }
}

module attributes {stable_mosaic.version = 14 : i64} {
  func.func @body(%arg0: i32, %arg1: memref<2048x128xf32, #tpu.memory_space<vmem>>, %arg2: memref<2048x1xi32, #tpu.memory_space<vmem>>, %arg3: memref<2048x1xi32, #tpu.memory_space<vmem>>, %arg4: memref<1024x64xf32, #tpu.memory_space<vmem>>, %arg5: memref<2048x1024xf32, #tpu.memory_space<vmem>>) attributes {dimension_semantics = [#tpu.dimension_semantics<parallel>], iteration_bounds = array<i64: 8>, scalar_prefetch = 0 : i64, scratch_operands = 0 : i64, tpu.core_type = #tpu.core_type<tc>, window_params = [{transform_indices = @transform_0, window_bounds = array<i64: 2048, 128>}, {transform_indices = @transform_1, window_bounds = array<i64: 2048, 1>}, {transform_indices = @transform_2, window_bounds = array<i64: 2048, 1>}, {pipeline_mode = #tpu.pipeline_mode<synchronous>, transform_indices = @transform_3, window_bounds = array<i64: 1024, 64>}, {transform_indices = @transform_4, window_bounds = array<i64: 2048, 1024>}]} {
    %get3A = arith.constant 0 : index
    %get3A_0 = arith.constant 0 : index
    %get3A_1 = vector.load %arg2[%get3A, %get3A_0] : memref<2048x1xi32, #tpu.memory_space<vmem>>, vector<2048x1xi32>
    %mul3A = arith.constant 3 : i32
    %mul3A_2 = vector.broadcast %mul3A : i32 to vector<2048x1xi32>
    %mul3A_3 = arith.muli %get3A_1, %mul3A_2 : vector<2048x1xi32>
    %get3A_4 = arith.constant 0 : index
    %get3A_5 = arith.constant 0 : index
    %get3A_6 = vector.load %arg3[%get3A_4, %get3A_5] : memref<2048x1xi32, #tpu.memory_space<vmem>>, vector<2048x1xi32>
    %add3A = arith.addi %mul3A_3, %get3A_6 : vector<2048x1xi32>
    %ge3A = arith.constant 204800 : i32
    %ge3A_7 = vector.broadcast %ge3A : i32 to vector<2048x1xi32>
    %ge3A_8 = arith.cmpi sge, %add3A, %ge3A_7 : vector<2048x1xi32>
    %get3A_9 = arith.constant 0 : index
    %get3A_10 = arith.constant 64 : index
    %get3A_11 = vector.load %arg1[%get3A_9, %get3A_10] : memref<2048x128xf32, #tpu.memory_space<vmem>>, vector<2048x64xf32>
    %get3A_12 = arith.constant 0 : index
    %get3A_13 = arith.constant 0 : index
    %get3A_14 = vector.load %arg1[%get3A_12, %get3A_13] : memref<2048x128xf32, #tpu.memory_space<vmem>>, vector<2048x64xf32>
    %broadcast_in_dim3A = vector.shape_cast %ge3A_8 : vector<2048x1xi1> to vector<2048x1xi1>
    %broadcast_in_dim3A_15 = vector.broadcast %broadcast_in_dim3A : vector<2048x1xi1> to vector<2048x64xi1>
    %select_n3A = arith.select %broadcast_in_dim3A_15, %get3A_11, %get3A_14 : vector<2048x64xi1>, vector<2048x64xf32>
    %get3A_16 = arith.constant 0 : index
    %get3A_17 = arith.constant 0 : index
    %get3A_18 = vector.load %arg4[%get3A_16, %get3A_17] : memref<1024x64xf32, #tpu.memory_space<vmem>>, vector<1024x64xf32>
    %dot_general3A = arith.constant dense<0.000000e+00> : vector<2048x1024xf32>
    %dot_general3A_19 = tpu.matmul %select_n3A, %get3A_18, %dot_general3A {dimension_numbers = #tpu.dot_dimension_numbers<[1], [1], [0], [0], [0, 0, 1, 0], [], []>, transpose_lhs_hint = false} : vector<2048x64xf32>, vector<1024x64xf32>, vector<2048x1024xf32> -> vector<2048x1024xf32>
    %swap3A = arith.constant 0 : index
    %swap3A_20 = arith.constant 0 : index
    %swap3A_21 = vector.load %arg5[%swap3A, %swap3A_20] : memref<2048x1024xf32, #tpu.memory_space<vmem>>, vector<2048x1024xf32>
    tpu.vector_store %arg5[%swap3A, %swap3A_20], %dot_general3A_19 {strides = array<i32>} : memref<2048x1024xf32, #tpu.memory_space<vmem>>, vector<2048x1024xf32>,
    return
  }
  func.func @transform_0(%arg0: i32) -> (i32, i32) {
    %c0_i32 = arith.constant 0 : i32
    %c0_i32_0 = arith.constant 0 : i32
    return %arg0, %c0_i32 : i32, i32
  }
  func.func @transform_1(%arg0: i32) -> (i32, i32) {
    %c0_i32 = arith.constant 0 : i32
    %c0_i32_0 = arith.constant 0 : i32
    return %arg0, %c0_i32 : i32, i32
  }
  func.func @transform_2(%arg0: i32) -> (i32, i32) {
    %c0_i32 = arith.constant 0 : i32
    %c0_i32_0 = arith.constant 0 : i32
    return %arg0, %c0_i32 : i32, i32
  }
  func.func @transform_3(%arg0: i32) -> (i32, i32) {
    %c0_i32 = arith.constant 0 : i32
    %c0_i32_0 = arith.constant 0 : i32
    %c0_i32_1 = arith.constant 0 : i32
    return %c0_i32, %c0_i32_0 : i32, i32
  }
  func.func @transform_4(%arg0: i32) -> (i32, i32) {
    %c0_i32 = arith.constant 0 : i32
    %c0_i32_0 = arith.constant 0 : i32
    return %arg0, %c0_i32 : i32, i32
  }
}

</mosaic_0001>

<sc_bundles>
// kernel: kernel.5.cloned.1.call-start
scs
__scs_entry_jumppad:
0x0: {  	(pc) =	sbr.rel $0x88, $3  }
0x1: {  	(tag) =	ssettag $0x0;
	lr =	simm.s32 $0x1  }
0x2: {  	[smem:$0x3F9E] =	sst lr;
	_ =	strace $0xD0000000  }
0x3: {  	_ = 	snop  }
0x4: {  	_ = 	snop  }
0x5: {  	_ = 	snop  }
0x6: {  	_ = 	snop  }
0x7: {  	_ = 	snop  }
__scs_overlays_trampoline_lowered:
0x8: {  	[smem:$0x3FAD] =	sst s0  }
0x9: {  	[smem:$0x3FAE] =	sst s1  }
0xa: {  	[smem:$0x3FAF] =	sst s2  }
0xb: {  	[smem:$0x3FB0] =	sst s3  }
0xc: {  	[smem:$0x3FB1] =	sst s4  }
0xd: {  	[smem:$0x3FB2] =	sst s5  }
0xe: {  	[smem:$0x3FB3] =	sst s6  }
0xf: {  	[smem:$0x3FB4] =	sst s7  }
0x10: {  	[smem:$0x3FB5] =	sst s8  }
0x11: {  	[smem:$0x3FB6] =	sst s9;
	s0 =	simm.s32 @!p0 $0x0  }
0x12: {  	s1 =	sld [smem:$0x3F9C];
	s0 =	simm.s32 @p0 $0x1  }
0x13: {  	[smem:$0x3FB7] =	sst s0;
	s0 =	simm.s32 @!p1 $0x0  }
0x14: {  	s2 =	sld [smem:$0x3F9B];
	s0 =	simm.s32 @p1 $0x1  }
0x15: {  	[smem:$0x3FB8] =	sst s0;
	s0 =	simm.s32 @!p2 $0x0  }
0x16: {  	s3 =	sld [smem:$0x3FDB];
	s0 =	simm.s32 @p2 $0x1  }
0x17: {  	s4 =	simm.s32 $0x1BF5;
	[smem:$0x3FBA] =	sst s0  }
0x18: {  	s0 =	sld [smem:$0x3F9D];
	_ =	swait.ge [sflag:s4], $0x0  }
0x19: {  	s7 =	sld [smem:$0x3F9E]  }
0x1a: {  	s8 =	sadd.s32 $0xFFFFE003, lr  }
0x1b: {  	s9 =	sadd.s32 $0xFFFFFEF7, lr;
	s5 =	simm.s32 $0xFFFFFFFF;
	p2 =	slt.u32 s8, $0xFFFFF086  }
0x1c: {  	p1 =	slt.u32 s9, $0xF7A;
	s5 =	simm.s32 @!p2 $0x0  }
0x1d: {  	s5 =	simm.s32 @p1 $0x1;
	p0 =	seq.s32 s7, s2  }
0x1e: {  	s7 =	smul.u32 @!p0 $0xF7A, s2;
	p2 =	seq.s32 @!p0 s5, $0x0  }
0x1f: {  	s9 =	smul.u32 $0xF7A, s1;
	s8 =	simm.s32 @!p0 $0x1BF5;
	p2 =	por !p2, p0  }
0x20: {  	[sflag:s8] =	ssyncset.s32 @!p0 $0xFFFFF086;
	s6 =	sadd.s32 @!p0 s3, s7;
	s7 =	simm.s32 @!p0 $0x108  }
0x21: {  	s3 =	sadd.s32 s3, s9;
	s6 =	sadd.s32 @!p0 $0x88, s6;
	s7 =	simm.s32 @p2 $0x1082  }
0x22: {  	[simem:s7], [sflag:s8] =	dma.local @!p0 [hbm:s6], $0xF7A  }
0x23: {  	s9 =	sor.u32 $0xD0000000, s2;
	s6 =	simm.s32 $0x108;
	_ =	swait.ge @!p0 [sflag:s8], $0x0  }
0x24: {  	s3 =	sadd.s32 $0x88, s3;
	s6 =	simm.s32 @!p1 $0x1082;
	[sflag:s4] =	ssyncset.s32 $0xFFFFF086  }
0x25: {  	[simem:s6], [sflag:s4] =	dma.local [hbm:s3], $0xF7A  }
0x26: {  	[smem:$0x3F9E] =	sst s1;
	(tag) =	ssettag s2;
	_ =	strace s9  }
0x27: {  	s1 =	sld [smem:$0x3FAE]  }
0x28: {  	s2 =	sld [smem:$0x3FAF]  }
0x29: {  	s4 =	sld [smem:$0x3FB1]  }
0x2a: {  	p0 =	seq.s32 s5, $0x0;
	s5 =	sld [smem:$0x3FB2]  }
0x2b: {  	s6 =	sld [smem:$0x3FB3]  }
0x2c: {  	s7 =	sld [smem:$0x3FB4]  }
0x2d: {  	s3 =	simm.s32 $0x108;
	s8 =	sld [smem:$0x3FB5]  }
0x2e: {  	s3 =	simm.s32 @!p0 $0x1082;
	s9 =	sld [smem:$0x3FB6]  }
0x2f: {  	lr =	sadd.s32 s0, s3;
	s0 =	sld [smem:$0x3FAD]  }
0x30: {  	s3 =	sld [smem:$0x3FB0]  }
0x31: {  	[smem:$0x3FB9] =	sst s10  }
0x32: {  	s10 =	sld [smem:$0x3FB7];
	_ =	sdelay $0x3  }
0x33: {  	p0 =	seq.s32 s10, $0x1;
	s10 =	sld [smem:$0x3FB9];
	_ =	sdelay $0x3  }
0x34: {  	[smem:$0x3FB9] =	sst s10  }
0x35: {  	s10 =	sld [smem:$0x3FB8];
	_ =	sdelay $0x3  }
0x36: {  	p1 =	seq.s32 s10, $0x1;
	s10 =	sld [smem:$0x3FB9];
	_ =	sdelay $0x3  }
0x37: {  	[smem:$0x3FB9] =	sst s10  }
0x38: {  	s10 =	sld [smem:$0x3FBA]  }
0x39: {  	_ = 	snop;
	(pc) =	sbr.ind lr, $3  }
0x3a: {  	_ = 	snop  }
0x3b: {  	_ = 	snop  }
0x3c: {  	p2 =	seq.s32 s10, $0x1;
	s10 =	sld [smem:$0x3FB9]  }
0x3d: {  	_ =	shalt  }
0x3e: {  	_ =	shalt  }
0x3f: {  	_ =	shalt  }
0x40: {  	_ =	shalt  }
0x41: {  	_ =	shalt  }
0x42: {  	_ =	shalt  }
0x43: {  	_ =	shalt  }
0x44: {  	_ =	shalt  }
0x45: {  	_ =	shalt  }
0x46: {  	_ =	shalt  }
0x47: {  	_ =	shalt  }
0x48: {  	_ =	shalt  }
0x49: {  	_ =	shalt  }
0x4a: {  	_ =	shalt  }
0x4b: {  	_ =	shalt  }
0x4c: {  	_ =	shalt  }
0x4d: {  	_ =	shalt  }
0x4e: {  	_ =	shalt  }
0x4f: {  	_ =	shalt  }
0x50: {  	_ =	shalt  }
0x51: {  	_ =	shalt  }
0x52: {  	_ =	shalt  }
0x53: {  	_ =	shalt  }
0x54: {  	_ =	shalt  }
0x55: {  	_ =	shalt  }
0x56: {  	_ =	shalt  }
0x57: {  	_ =	shalt  }
0x58: {  	_ =	shalt  }
0x59: {  	_ =	shalt  }
0x5a: {  	_ =	shalt  }
0x5b: {  	_ =	shalt  }
0x5c: {  	_ =	shalt  }
0x5d: {  	_ =	shalt  }
0x5e: {  	_ =	shalt  }
0x5f: {  	_ =	shalt  }
0x60: {  	_ =	shalt  }
0x61: {  	_ =	shalt  }
0x62: {  	_ =	shalt  }
0x63: {  	_ =	shalt  }
0x64: {  	_ =	shalt  }
0x65: {  	_ =	shalt  }
0x66: {  	_ =	shalt  }
0x67: {  	_ =	shalt  }
0x68: {  	_ =	shalt  }
0x69: {  	_ =	shalt  }
0x6a: {  	_ =	shalt  }
0x6b: {  	_ =	shalt  }
0x6c: {  	_ =	shalt  }
0x6d: {  	_ =	shalt  }
0x6e: {  	_ =	shalt  }
0x6f: {  	_ =	shalt  }
0x70: {  	_ =	shalt  }
0x71: {  	_ =	shalt  }
0x72: {  	_ =	shalt  }
0x73: {  	_ =	shalt  }
0x74: {  	_ =	shalt  }
0x75: {  	_ =	shalt  }
0x76: {  	_ =	shalt  }
0x77: {  	_ =	shalt  }
0x78: {  	_ =	shalt  }
0x79: {  	_ =	shalt  }
0x7a: {  	_ =	shalt  }
0x7b: {  	_ =	shalt  }
0x7c: {  	_ =	shalt  }
0x7d: {  	_ =	shalt  }
0x7e: {  	_ =	shalt  }
0x7f: {  	_ =	shalt  }
0x80: {  	_ =	shalt  }
0x81: {  	_ =	shalt  }
0x82: {  	_ =	shalt  }
0x83: {  	_ =	shalt  }
0x84: {  	_ =	shalt  }
0x85: {  	_ =	shalt  }
0x86: {  	_ =	shalt  }
0x87: {  	_ =	shalt  }
.Lfunc_end0:
.L_simem_size_0:
called_computation_lowered:
.L_overlay_start_0:
0x88: {  	s2 =	sld [smem:$0x3FD9]  }
0x89: {  	s3 =	sld [smem:$0x3FFE];
	_ =	sdelay $0x1  }
0x8a: {  	s1 =	srdreg.scid  }
0x8b: {  	s0 =	sand.u32 $0x1, s1  }
0x8c: {  	s17 =	sshll.u32 s0, $0xA;
	s2 =	sadd.s32 s3, s2  }
0x8d: {  	s2 =	sadd.s32 s2, s17  }
0x8e: {  	[smem:$0x3FC5] =	sst s2  }
0x8f: {  	_ = 	snop  }
0x90: {  	s2 =	sld [smem:$0x3FD0];
	(tm) =	ssettm $0x1  }
0x91: {  	s18 =	sld [smem:$0x3FFB];
	_ =	sdelay $0x3  }
0x92: {  	_ =	strace s18  }
0x93: {  	s3 =	sld [smem:$0x3FFC];
	_ =	sdelay $0x3  }
0x94: {  	_ =	strace s3  }
0x95: {  	s3 =	sld [smem:$0x3FFD];
	_ =	sdelay $0x3  }
0x96: {  	_ =	strace s3  }
0x97: {  	_ =	strace $0x8FFFFFFF  }
0x98: {  	s19 =	sld [smem:$0x3FDB];
	_ =	sdelay $0x1  }
0x99: {  	s4 =	simm.s32 $_scs_section_size  }
0x9a: {  	s5 =	simm.s32 $_size__tile_overlayer_lowered;
	s6 =	simm.s32 $_tile_overlayer_lowered  }
0x9b: {  	s22 =	simm.s32 $0x1BFF;
	s21 =	sshll.u32 s6, $0x1;
	s3 =	sadd.s32 s4, s19  }
0x9c: {  	s7 =	simm.s32 $0x0;
	s20 =	sshll.u32 s5, $0x1;
	s5 =	sadd.s32 s21, s3  }
0x9d: {  	[timem:s7], [sflag:s22] =	dma.local [hbm:s5], s20  }
0x9e: {  	_ =	swait.ge [sflag:s22], s20  }
0x9f: {  	s4 =	ssub.s32 $0x0, s20;
	[sflag:s22] =	ssyncset.done $0x0  }
0xa0: {  	[sflag:s22] =	ssyncadd.s32 s4;
	_ =	sdelay $0x1  }
0xa1: {  	s23 =	simm.s32 $0x1B8B  }
0xa2: {  	_ =	swait.ge [sflag:s23], $0x1  }
0xa3: {  	[sflag:s23] =	ssyncset.done $0x0  }
0xa4: {  	s25 =	simm.s32 $0x1B8E;
	s24 =	sld [smem:$0x3FFE];
	[sflag:s23] =	ssyncadd.s32 $0xFFFFFFFF  }
0xa5: {  	s26 =	simm.s32 $execute0_lowered;
	[smem:$0x3FD2] =	sst s25  }
0xa6: {  	s5 =	sshll.u32 s26, $0x1;
	_ =	strace $0x80000046;
	[dreg:$0x1] =	wrdreg $0xFFFFFFFF  }
0xa7: {  	s28 =	simm.s32 $_size_execute0_lowered;
	s3 =	sadd.s32 s3, s5;
	[dreg:$0x0] =	wrdreg $0x0  }
0xa8: {  	s5 =	sshll.u32 s28, $0x1;
	[dreg:$0x2] =	wrdreg s3  }
0xa9: {  	[dreg:$0x3] =	wrdreg s5  }
0xaa: {  	[dreg:$0x4] =	wrdreg $0xC0  }
0xab: {  	_ =	task [dreg:s7], $0x5FFFF  }
0xac: {  	[dreg:$0x1] =	wrdreg $0xFFFFFFFF  }
0xad: {  	[dreg:$0x0] =	wrdreg $0x60  }
0xae: {  	[dreg:$0x2] =	wrdreg s24  }
0xaf: {  	[dreg:$0x3] =	wrdreg s2  }
0xb0: {  	[dreg:$0x4] =	wrdreg $0x9  }
0xb1: {  	_ =	task.clear_ibuf [dreg:s7], $0x5FFFF;
	_ =	strace $0x90000046  }
0xb2: {  	s29 =	simm.s32 $0x9;
	_ =	strace $0x80000051  }
0xb3: {  	_ =	swait.ge [sflag:s29], $0x1  }
0xb4: {  	[sflag:s29] =	ssyncadd.s32 $0xFFFFFFFF  }
0xb5: {  	_ =	strace $0x90000051  }
0xb6: {  	_ =	sfence  }
0xb7: {  	s30 =	sld [smem:$0x0];
	_ =	sdelay $0x2  }
0xb8: {  	s31 =	sshll.u32 s1, $0xD;
	s1 =	sshrl.u32 s1, $0x2  }
0xb9: {  	s3 =	sand.u32 $0x4000, s31;
	s1 =	sadd.s32 s1, s30  }
0xba: {  	s0 =	sor.u32 s3, s0;
	s1 =	sshll.u32 s1, $0x11  }
0xbb: {  	s0 =	sor.u32 s1, s0  }
0xbc: {  	s0 =	sadd.s32 $0x8F2B, s0  }
0xbd: {  	[sflag:s0] =	ssyncadd.remote.s32 $0x1  }
0xbe: {  	_ =	sfence.sel $0xFFFF  }
0xbf: {  	[dreg:$0x0] =	wrdreg $0xFFFFFFFF;
	(pc) =	sbr.abs _section_cstart, $3  }
0xc0: {  	[dreg:$0x1] =	wrdreg $0xFFFFFFFF  }
0xc1: {  	_ =	task.clear_ibuf [dreg:s7], $0x2FFFF;
	_ =	strace $0x9FFFFFFF  }
0xc2: {  	(tm) =	ssettm $0x7FFFFFFF  }
0xc3: {  	_ =	shalt  }
tec
execute0_lowered:
.L_overlay_start_1:
0x0: {  	(tag) =	ssettag $0x1  }
0x1: {  	s0 =	rddreg [dreg:$0x0]  }
0x2: {  	s1 =	rddreg [dreg:$0x1];
	s3 =	srdreg.scid  }
0x3: {  	s6 =	stileid.u32;
	[dreg:$0x4] =	wrdreg s1  }
0x4: {  	s1 =	simm.s32 $0x0;
	s2 =	sadd.s32 $0x1400, s0;
	s4 =	sadd.s32 $0xC00, s0  }
0x5: {  	s0 =	sadd.s32 $0x1C00, s0;
	s3 =	sand.u32 $0x1, s3;
	[smem:$0x7FF] =	sst s1  }
0x6: {  	s5 =	ssub.s32 $0x2, s3;
	s3 =	sshll.u32 s3, $0x4;
	_ =	strace $0x80000047  }
0x7: {  	[dreg:$0x3] =	wrdreg s0;
	s30 =	sshrl.u32 s5, $0x1;
	s3 =	sor.u32 s6, s3  }
0x8: {  	s0 =	ssub.s32 s5, s30;
	s5 =	sshll.u32 s3, $0x2;
	s3 =	sshll.u32 s3, $0x6  }
0x9: {  	s31 =	sadd.s32 s2, s3  }
0xa: {  	s3 =	sadd.s32 s4, s3;
	[dreg:$0x5] =	wrdreg s31  }
0xb: {  	s9 =	simm.s32 $0x80;
	s0 =	smax.u32 s0, $0x1;
	[dreg:$0x6] =	wrdreg s3  }
0xc: {  	s11 =	simm.s32 $0x7;
	[dreg:$0x7] =	wrdreg s0;
	s3 =	simm.s32 $0x0  }
.LBB2_1:
0xd: {  	[dreg:$0x8] =	wrdreg s3;
	s15 =	simm.s32 $0x1;
	p0 =	por $0x0, $0x0  }
0xe: {  	p1 =	por $0x0, $0x0;
	_ =	strace $0x80000048;
	s15 =	simm.s32 @p0 $0x0  }
0xf: {  	s0 =	rddreg [dreg:$0x5];
	p2 =	seq.s32 @!p1 s15, $0x0  }
0x10: {  	[tilespmem:s9], [sflag:$0x1] =	stream.linear.gather [hbm4b:s0+s1], $0x80, $0x200038;
	[tilespmem:$0x8280] =	vst v63  }
0x11: {  	s21 =	simm.s32 $0x180;
	s13 =	simm.s32 $0x1;
	p0 =	por p2, p1  }
0x12: {  	s20 =	rddreg [dreg:$0x6];
	s0 =	sadd.s32 @!p0 s5, s15;
	s3 =	sand.u32 @!p0 $0x1, s13  }
0x13: {  	[tilespmem:s21], [sflag:$0x3] =	stream.linear.gather [hbm4b:s20+s1], $0x80, $0x200038;
	[tilespmem:$0x8280] =	vst v63  }
0x14: {  	s12 =	simm.s32 @!p0 $0x0;
	s0 =	sshll.u32 @!p0 s0, $0x4;
	s6 =	sshll.u32 @!p0 s3, $0x7  }
0x15: {  	s7 =	sadd.s32 @!p0 $0x1, s3;
	_ =	strace $0x90000048;
	s0 =	sand.u32 @!p0 $0x1FFFFFF0, s0  }
0x16: {  	s10 =	sadd.s32 @!p0 $0x80, s6;
	s8 =	sadd.s32 @!p0 s2, s0;
	_ =	strace @!p0 $0x80000049  }
0x17: {  	[tilespmem:s10], [sflag:s7] =	stream.linear.gather @!p0 [hbm4b:s8+s12], $0x80, $0x200038;
	[tilespmem:$0x8280] =	vst v63  }
0x18: {  	s3 =	sadd.s32 @!p0 $0x3, s3;
	_ =	strace @!p0 $0x90000049  }
0x19: {  	s6 =	sadd.s32 @!p0 $0x180, s6;
	s0 =	sadd.s32 @!p0 s4, s0;
	_ =	strace @!p0 $0x8000004A  }
0x1a: {  	[tilespmem:s6], [sflag:s3] =	stream.linear.gather @!p0 [hbm4b:s0+s12], $0x80, $0x200038;
	[tilespmem:$0x8280] =	vst v63  }
0x1b: {  	s19 =	sand.u32 $0x1, s1;
	_ =	strace @!p0 $0x9000004A  }
0x1c: {  	s22 =	sadd.s32 $0x1, s19;
	_ =	strace $0x8000004B  }
0x1d: {  	_ =	swait.ge [sflag:s22], $0x80  }
0x1e: {  	[sflag:s22] =	ssyncset.done $0x0  }
0x1f: {  	[sflag:s22] =	ssyncadd.s32 $0xFFFFFF80  }
0x20: {  	_ =	strace $0x9000004B  }
0x21: {  	s23 =	sadd.s32 $0x3, s19;
	_ =	strace $0x8000004C  }
0x22: {  	_ =	swait.ge [sflag:s23], $0x80  }
0x23: {  	[sflag:s23] =	ssyncset.done $0x0  }
0x24: {  	[sflag:s23] =	ssyncadd.s32 $0xFFFFFF80  }
0x25: {  	s24 =	simm.s32 $0x0;
	_ =	strace $0x9000004C  }
0x26: {  	s0 =	sand.u32 $0x80, s24;
	_ =	strace $0x8000004D  }
0x27: {  	v0 =	vld [tilespmem:s0+$0x80];
	_ =	sdelay $0x1  }
0x28: {  	v1 =	vld [tilespmem:s0+$0x180];
	_ =	sdelay $0x2  }
0x29: {  	v0 =	vmul.u32 $0x3, v0;
	_ =	sdelay $0x1  }
0x2a: {  	v0 =	vadd.s32 v1, v0  }
0x2b: {  	vm0 =	vgt.s32 v0, $0x31FFF;
	v1 =	vadd.s32 $0xFFFCE000, v0  }
0x2c: {  	v0 =	vsel vm0, v1, v0  }
0x2d: {  	[tilespmem:$0x0] =	vst v0  }
0x2e: {  	v0 =	vld [tilespmem:s0+$0x90];
	_ =	sdelay $0x1  }
0x2f: {  	v57 =	vld [tilespmem:s0+$0x190];
	_ =	sdelay $0x2  }
0x30: {  	v0 =	vmul.u32 $0x3, v0;
	_ =	sdelay $0x1  }
0x31: {  	v0 =	vadd.s32 v57, v0  }
0x32: {  	vm9 =	vgt.s32 v0, $0x31FFF;
	v1 =	vadd.s32 $0xFFFCE000, v0  }
0x33: {  	v0 =	vsel vm9, v1, v0  }
0x34: {  	[tilespmem:$0x10] =	vst v0  }
0x35: {  	v0 =	vld [tilespmem:s0+$0xA0];
	_ =	sdelay $0x1  }
0x36: {  	v58 =	vld [tilespmem:s0+$0x1A0];
	_ =	sdelay $0x2  }
0x37: {  	v0 =	vmul.u32 $0x3, v0;
	_ =	sdelay $0x1  }
0x38: {  	v0 =	vadd.s32 v58, v0  }
0x39: {  	vm10 =	vgt.s32 v0, $0x31FFF;
	v1 =	vadd.s32 $0xFFFCE000, v0  }
0x3a: {  	v0 =	vsel vm10, v1, v0  }
0x3b: {  	[tilespmem:$0x20] =	vst v0  }
0x3c: {  	v0 =	vld [tilespmem:s0+$0xB0];
	_ =	sdelay $0x1  }
0x3d: {  	v59 =	vld [tilespmem:s0+$0x1B0];
	_ =	sdelay $0x2  }
0x3e: {  	v0 =	vmul.u32 $0x3, v0;
	_ =	sdelay $0x1  }
0x3f: {  	v0 =	vadd.s32 v59, v0  }
0x40: {  	vm11 =	vgt.s32 v0, $0x31FFF;
	v1 =	vadd.s32 $0xFFFCE000, v0  }
0x41: {  	v0 =	vsel vm11, v1, v0  }
0x42: {  	[tilespmem:$0x30] =	vst v0  }
0x43: {  	v0 =	vld [tilespmem:s0+$0xC0];
	_ =	sdelay $0x1  }
0x44: {  	v60 =	vld [tilespmem:s0+$0x1C0];
	_ =	sdelay $0x2  }
0x45: {  	v0 =	vmul.u32 $0x3, v0;
	_ =	sdelay $0x1  }
0x46: {  	v0 =	vadd.s32 v60, v0  }
0x47: {  	vm12 =	vgt.s32 v0, $0x31FFF;
	v1 =	vadd.s32 $0xFFFCE000, v0  }
0x48: {  	v0 =	vsel vm12, v1, v0  }
0x49: {  	[tilespmem:$0x40] =	vst v0  }
0x4a: {  	v0 =	vld [tilespmem:s0+$0xD0];
	_ =	sdelay $0x1  }
0x4b: {  	v61 =	vld [tilespmem:s0+$0x1D0];
	_ =	sdelay $0x2  }
0x4c: {  	v0 =	vmul.u32 $0x3, v0;
	_ =	sdelay $0x1  }
0x4d: {  	v0 =	vadd.s32 v61, v0  }
0x4e: {  	vm13 =	vgt.s32 v0, $0x31FFF;
	v1 =	vadd.s32 $0xFFFCE000, v0  }
0x4f: {  	v0 =	vsel vm13, v1, v0  }
0x50: {  	[tilespmem:$0x50] =	vst v0  }
0x51: {  	v0 =	vld [tilespmem:s0+$0xE0];
	_ =	sdelay $0x1  }
0x52: {  	v62 =	vld [tilespmem:s0+$0x1E0];
	_ =	sdelay $0x2  }
0x53: {  	v0 =	vmul.u32 $0x3, v0;
	_ =	sdelay $0x1  }
0x54: {  	v0 =	vadd.s32 v62, v0  }
0x55: {  	vm14 =	vgt.s32 v0, $0x31FFF;
	v1 =	vadd.s32 $0xFFFCE000, v0  }
0x56: {  	v0 =	vsel vm14, v1, v0  }
0x57: {  	[tilespmem:$0x60] =	vst v0  }
0x58: {  	s31 =	simm.s32 $0x1;
	s16 =	simm.s32 $0x3;
	p3 =	sne.s32 s15, $0x0;
	v0 =	vld [tilespmem:s0+$0xF0]  }
0x59: {  	s28 =	simm.s32 $0x1;
	s26 =	sshll.u32 s19, $0xE;
	p4 =	por p1, p3  }
0x5a: {  	s30 =	sor.u32 $0x280, s26;
	s18 =	sadd.s32 $0x1, s15;
	s28 =	simm.s32 @!p4 $0x0;
	v63 =	vld [tilespmem:s0+$0x1F0]  }
0x5b: {  	p2 =	por !p2, p1;
	s21 =	sadd.s32 $0x0, s28;
	s3 =	simm.s32 $0x0  }
0x5c: {  	s29 =	sand.u32 $0x1, s21;
	s10 =	sadd.s32 @p4 $0x5, s19;
	s3 =	simm.s32 @p2 $0x1  }
0x5d: {  	s19 =	smov.u32 s21;
	s6 =	simm.s32 $0x1;
	s3 =	simm.s32 @p1 $0x0;
	v0 =	vmul.u32 $0x3, v0  }
0x5e: {  	s12 =	simm.s32 @p4 $0x0;
	s20 =	sadd.s32 $0x1, s3;
	s3 =	sadd.s32 $0x0, s5  }
0x5f: {  	s3 =	sshll.u32 @p4 s3, $0xB;
	s22 =	simm.s32 $0x2;
	s0 =	simm.s32 @!p0 $0x2;
	v0 =	vadd.s32 v63, v0  }
0x60: {  	s23 =	simm.s32 $0x0;
	s25 =	rddreg [dreg:$0x3];
	s31 =	smov.u32 @p2 s0;
	vm15 =	vgt.s32 v0, $0x31FFF;
	v1 =	vadd.s32 $0xFFFCE000, v0  }
0x61: {  	p0 =	por $0x0, $0x0;
	s31 =	smov.u32 @p1 s13;
	p1 =	por $0x0, $0x0;
	v0 =	vsel vm15, v1, v0  }
0x62: {  	p2 =	por $0x1, $0x1;
	s6 =	simm.s32 @!p1 $0x0;
	p1 =	seq.s32 s18, $0x4;
	[tilespmem:$0x70] =	vst v0  }
0x63: {  	[tilespmem:s30], [sflag:$0x7] =	stream.indirect.gather [hbm4b:s25+s9], $0x80, s1, s9, $0x2000b8;
	[tilespmem:$0x8280] =	vst v63  }
0x64: {  	s0 =	sand.u32 @p4 $0x1FFFF800, s3;
	s18 =	simm.s32 @p1 $0x0;
	_ =	swait.ge [sflag:s11], $0x4000  }
0x65: {  	s24 =	smov.u32 s31;
	p1 =	seq.s32 @!p0 s15, s18;
	[sflag:s11] =	ssyncset.done $0x0  }
0x66: {  	s17 =	sadd.s32 $0x0, s6;
	p3 =	por p1, p0;
	[sflag:s11] =	ssyncadd.s32 $0xFFFFC000  }
0x67: {  	p5 =	por !p1, p0;
	s26 =	sand.u32 @!p3 $0x1, s31;
	_ =	strace $0x9000004D  }
0x68: {  	s7 =	sadd.s32 @!p3 s5, s18;
	s3 =	sshll.u32 @!p3 s26, $0x7;
	_ =	strace @p4 $0x8000004E  }
0x69: {  	s8 =	sshll.u32 @!p3 s7, $0x4;
	s7 =	sand.u32 @!p2 $0x1, s1;
	s6 =	rddreg [dreg:$0x4]  }
.LBB2_2:
0x6a: {  	s0 =	sadd.s32 @p4 s6, s0  }
0x6b: {  	[hbm4b:s0+s12] =	stream.linear.scatter @p4 [tilespmem:s30], [sflag:s10], $0x4000, $0x200038;
	[tilespmem:$0x8280] =	vst v63  }
0x6c: {  	_ =	strace @p4 $0x9000004E  }
0x6d: {  	s6 =	sadd.s32 @!p2 $0x5, s7;
	_ =	strace @!p2 $0x8000004F  }
0x6e: {  	_ =	swait.ge @!p2 [sflag:s6], $0x4000  }
0x6f: {  	[sflag:s6] =	ssyncset.done @!p2 $0x0  }
0x70: {  	s13 =	sadd.s32 @!p3 $0x1, s26;
	s8 =	sand.u32 @!p3 $0x1FFFFFF0, s8;
	[sflag:s6] =	ssyncadd.s32 @!p2 $0xFFFFC000  }
0x71: {  	s3 =	sadd.s32 @!p3 $0x80, s3;
	s14 =	sadd.s32 @!p3 s2, s8;
	_ =	strace @!p2 $0x9000004F  }
0x72: {  	s0 =	sand.u32 @!p3 $0x1, s20;
	s6 =	simm.s32 @!p3 $0x0;
	_ =	strace @!p3 $0x80000049  }
0x73: {  	[tilespmem:s3], [sflag:s13] =	stream.linear.gather @!p3 [hbm4b:s14+s6], $0x80, $0x200038;
	[tilespmem:$0x8280] =	vst v63  }
0x74: {  	s7 =	sadd.s32 @!p3 s4, s8;
	s8 =	sshll.u32 @!p3 s0, $0x7;
	_ =	strace @!p3 $0x90000049  }
0x75: {  	s0 =	sadd.s32 @!p3 $0x3, s0;
	s8 =	sadd.s32 @!p3 $0x180, s8;
	_ =	strace @!p3 $0x8000004A  }
0x76: {  	[tilespmem:s8], [sflag:s0] =	stream.linear.gather @!p3 [hbm4b:s7+s6], $0x80, $0x200038;
	[tilespmem:$0x8280] =	vst v63  }
0x77: {  	_ =	strace @!p3 $0x9000004A  }
0x78: {  	s8 =	sadd.s32 $0x1, s29;
	_ =	strace $0x8000004B  }
0x79: {  	_ =	swait.ge [sflag:s8], $0x80  }
0x7a: {  	[sflag:s8] =	ssyncset.done $0x0  }
0x7b: {  	s23 =	sadd.s32 s28, s23;
	[sflag:s8] =	ssyncadd.s32 $0xFFFFFF80  }
0x7c: {  	s14 =	sand.u32 $0x1, s23;
	_ =	strace $0x9000004B  }
0x7d: {  	s10 =	sadd.s32 @!p3 $0x1, s31;
	s7 =	sadd.s32 $0x3, s14;
	_ =	strace $0x8000004C  }
0x7e: {  	s24 =	smov.u32 @p5 s10;
	s10 =	simm.s32 $0x0;
	_ =	swait.ge [sflag:s7], $0x80  }
0x7f: {  	s10 =	simm.s32 @p5 $0x1;
	[sflag:s7] =	ssyncset.done $0x0  }
0x80: {  	s10 =	simm.s32 @p0 $0x0;
	[sflag:s7] =	ssyncadd.s32 $0xFFFFFF80  }
0x81: {  	s20 =	sadd.s32 s20, s10;
	s10 =	sshll.u32 s21, $0x7;
	_ =	strace $0x9000004C  }
0x82: {  	s28 =	sand.u32 $0x80, s10;
	_ =	strace $0x8000004D  }
0x83: {  	s12 =	sshll.u32 s23, $0x7;
	v0 =	vld [tilespmem:s28+$0x80]  }
0x84: {  	s29 =	sand.u32 $0x80, s12  }
0x85: {  	v1 =	vld [tilespmem:s29+$0x180];
	_ =	sdelay $0x2  }
0x86: {  	v0 =	vmul.u32 $0x3, v0;
	_ =	sdelay $0x1  }
0x87: {  	v0 =	vadd.s32 v1, v0  }
0x88: {  	vm0 =	vgt.s32 v0, $0x31FFF;
	v1 =	vadd.s32 $0xFFFCE000, v0  }
0x89: {  	v0 =	vsel vm0, v1, v0  }
0x8a: {  	[tilespmem:$0x0] =	vst v0  }
0x8b: {  	v0 =	vld [tilespmem:s28+$0x90];
	_ =	sdelay $0x1  }
0x8c: {  	v57 =	vld [tilespmem:s29+$0x190];
	_ =	sdelay $0x2  }
0x8d: {  	v0 =	vmul.u32 $0x3, v0;
	_ =	sdelay $0x1  }
0x8e: {  	v0 =	vadd.s32 v57, v0  }
0x8f: {  	vm9 =	vgt.s32 v0, $0x31FFF;
	v1 =	vadd.s32 $0xFFFCE000, v0  }
0x90: {  	v0 =	vsel vm9, v1, v0  }
0x91: {  	[tilespmem:$0x10] =	vst v0  }
0x92: {  	v0 =	vld [tilespmem:s28+$0xA0];
	_ =	sdelay $0x1  }
0x93: {  	v58 =	vld [tilespmem:s29+$0x1A0];
	_ =	sdelay $0x2  }
0x94: {  	v0 =	vmul.u32 $0x3, v0;
	_ =	sdelay $0x1  }
0x95: {  	v0 =	vadd.s32 v58, v0  }
0x96: {  	vm10 =	vgt.s32 v0, $0x31FFF;
	v1 =	vadd.s32 $0xFFFCE000, v0  }
0x97: {  	v0 =	vsel vm10, v1, v0  }
0x98: {  	[tilespmem:$0x20] =	vst v0  }
0x99: {  	v0 =	vld [tilespmem:s28+$0xB0];
	_ =	sdelay $0x1  }
0x9a: {  	v59 =	vld [tilespmem:s29+$0x1B0];
	_ =	sdelay $0x2  }
0x9b: {  	v0 =	vmul.u32 $0x3, v0;
	_ =	sdelay $0x1  }
0x9c: {  	v0 =	vadd.s32 v59, v0  }
0x9d: {  	vm11 =	vgt.s32 v0, $0x31FFF;
	v1 =	vadd.s32 $0xFFFCE000, v0  }
0x9e: {  	v0 =	vsel vm11, v1, v0  }
0x9f: {  	[tilespmem:$0x30] =	vst v0  }
0xa0: {  	v0 =	vld [tilespmem:s28+$0xC0];
	_ =	sdelay $0x1  }
0xa1: {  	v60 =	vld [tilespmem:s29+$0x1C0];
	_ =	sdelay $0x2  }
0xa2: {  	v0 =	vmul.u32 $0x3, v0;
	_ =	sdelay $0x1  }
0xa3: {  	v0 =	vadd.s32 v60, v0  }
0xa4: {  	vm12 =	vgt.s32 v0, $0x31FFF;
	v1 =	vadd.s32 $0xFFFCE000, v0  }
0xa5: {  	v0 =	vsel vm12, v1, v0  }
0xa6: {  	[tilespmem:$0x40] =	vst v0  }
0xa7: {  	v0 =	vld [tilespmem:s28+$0xD0];
	_ =	sdelay $0x1  }
0xa8: {  	v61 =	vld [tilespmem:s29+$0x1D0];
	_ =	sdelay $0x2  }
0xa9: {  	v0 =	vmul.u32 $0x3, v0;
	_ =	sdelay $0x1  }
0xaa: {  	v0 =	vadd.s32 v61, v0  }
0xab: {  	vm13 =	vgt.s32 v0, $0x31FFF;
	v1 =	vadd.s32 $0xFFFCE000, v0  }
0xac: {  	v0 =	vsel vm13, v1, v0  }
0xad: {  	[tilespmem:$0x50] =	vst v0  }
0xae: {  	v0 =	vld [tilespmem:s28+$0xE0];
	_ =	sdelay $0x1  }
0xaf: {  	v62 =	vld [tilespmem:s29+$0x1E0];
	_ =	sdelay $0x2  }
0xb0: {  	v0 =	vmul.u32 $0x3, v0;
	_ =	sdelay $0x1  }
0xb1: {  	v0 =	vadd.s32 v62, v0  }
0xb2: {  	vm14 =	vgt.s32 v0, $0x31FFF;
	v1 =	vadd.s32 $0xFFFCE000, v0  }
0xb3: {  	v0 =	vsel vm14, v1, v0  }
0xb4: {  	[tilespmem:$0x60] =	vst v0  }
0xb5: {  	v63 =	vld [tilespmem:s28+$0xF0]  }
0xb6: {  	s26 =	smov.u32 s16;
	s16 =	smov.u32 s22;
	s22 =	sadd.s32 $0xFFFFFFFF, s22  }
0xb7: {  	s25 =	smov.u32 s17;
	p6 =	sne.s32 s15, s18;
	p1 =	sne.s32 s22, $0x0;
	v0 =	vld [tilespmem:s29+$0x1F0]  }
0xb8: {  	p4 =	por p0, p6;
	s24 =	smov.u32 @p0 s31;
	p0 =	seq.s32 s16, $0x1  }
0xb9: {  	s31 =	smov.u32 s24;
	p2 =	seq.s32 s26, $0x4;
	s3 =	sand.u32 $0x1, s19  }
0xba: {  	s10 =	sadd.s32 @p4 $0x5, s3;
	s0 =	sadd.s32 s5, s15;
	s15 =	smov.u32 s18;
	v1 =	vmul.u32 $0x3, v63  }
0xbb: {  	s18 =	sadd.s32 $0x1, s18;
	p3 =	sne.s32 s26, $0x4;
	s7 =	simm.s32 $0x1  }
0xbc: {  	s14 =	sshll.u32 s3, $0xE;
	s7 =	simm.s32 @!p3 $0x0;
	p3 =	seq.s32 s18, $0x4;
	v0 =	vadd.s32 v0, v1  }
0xbd: {  	s12 =	simm.s32 @p4 $0x0;
	s0 =	sshll.u32 @p4 s0, $0xB;
	s18 =	simm.s32 @p3 $0x0;
	vm15 =	vgt.s32 v0, $0x31FFF;
	v1 =	vadd.s32 $0xFFFCE000, v0  }
0xbe: {  	s30 =	sor.u32 $0x280, s14;
	s0 =	sand.u32 @p4 $0x1FFFF800, s0;
	p5 =	seq.s32 @!p0 s15, s18;
	v0 =	vsel vm15, v1, v0  }
0xbf: {  	s17 =	sadd.s32 s7, s17;
	s13 =	rddreg [dreg:$0x3];
	p3 =	por p5, p0;
	[tilespmem:$0x70] =	vst v0  }
0xc0: {  	[tilespmem:s30], [sflag:$0x7] =	stream.indirect.gather [hbm4b:s13+s9], $0x80, s1, s9, $0x2000b8;
	[tilespmem:$0x8280] =	vst v63  }
0xc1: {  	p5 =	por !p5, p0;
	s7 =	sadd.s32 @!p3 s5, s18;
	_ =	swait.ge [sflag:s11], $0x4000  }
.Ltmp0:
0xc2: {  	s26 =	sand.u32 @!p3 $0x1, s24;
	[sflag:s11] =	ssyncset.done $0x0;
	(pc) =	sbr.rel @p1 .LBB2_2-.Ltmp0, $4  }
0xc3: {  	s3 =	sshll.u32 @!p3 s26, $0x7;
	s28 =	simm.s32 $0x1;
	[sflag:s11] =	ssyncadd.s32 $0xFFFFC000  }
0xc4: {  	s8 =	sshll.u32 @!p3 s7, $0x4;
	s28 =	simm.s32 @!p4 $0x0;
	_ =	strace $0x9000004D  }
0xc5: {  	s7 =	sand.u32 @!p2 $0x1, s25;
	s21 =	sadd.s32 s28, s21;
	_ =	strace @p4 $0x8000004E  }
0xc6: {  	s19 =	sadd.s32 s28, s19;
	s29 =	sand.u32 $0x1, s21;
	s6 =	rddreg [dreg:$0x4]  }
0xc7: {  	s0 =	sadd.s32 @p4 s6, s0  }
0xc8: {  	[hbm4b:s0+s12] =	stream.linear.scatter @p4 [tilespmem:s30], [sflag:s10], $0x4000, $0x200038;
	[tilespmem:$0x8280] =	vst v63  }
0xc9: {  	_ =	strace @p4 $0x9000004E  }
0xca: {  	s0 =	sadd.s32 @!p2 $0x5, s7;
	_ =	strace @!p2 $0x8000004F  }
0xcb: {  	_ =	swait.ge @!p2 [sflag:s0], $0x4000  }
0xcc: {  	[sflag:s0] =	ssyncset.done @!p2 $0x0  }
0xcd: {  	s6 =	sand.u32 @!p3 $0x1FFFFFF0, s8;
	[sflag:s0] =	ssyncadd.s32 @!p2 $0xFFFFC000  }
0xce: {  	s3 =	sadd.s32 @!p3 $0x80, s3;
	s8 =	simm.s32 @!p3 $0x0;
	_ =	strace @!p2 $0x9000004F  }
0xcf: {  	s7 =	sadd.s32 @!p3 s2, s6;
	s0 =	sadd.s32 @!p3 $0x1, s26;
	_ =	strace @!p3 $0x80000049  }
0xd0: {  	[tilespmem:s3], [sflag:s0] =	stream.linear.gather @!p3 [hbm4b:s7+s8], $0x80, $0x200038;
	[tilespmem:$0x8280] =	vst v63  }
0xd1: {  	s0 =	sand.u32 @!p3 $0x1, s20  }
0xd2: {  	s3 =	sadd.s32 @!p3 s4, s6;
	s6 =	sshll.u32 @!p3 s0, $0x7;
	_ =	strace @!p3 $0x90000049  }
0xd3: {  	s0 =	sadd.s32 @!p3 $0x3, s0;
	s6 =	sadd.s32 @!p3 $0x180, s6;
	_ =	strace @!p3 $0x8000004A  }
0xd4: {  	[tilespmem:s6], [sflag:s0] =	stream.linear.gather @!p3 [hbm4b:s3+s8], $0x80, $0x200038;
	[tilespmem:$0x8280] =	vst v63  }
0xd5: {  	_ =	strace @!p3 $0x9000004A  }
0xd6: {  	s22 =	sadd.s32 $0x1, s29;
	_ =	strace $0x8000004B  }
0xd7: {  	_ =	swait.ge [sflag:s22], $0x80  }
0xd8: {  	[sflag:s22] =	ssyncset.done $0x0  }
0xd9: {  	s23 =	sadd.s32 s28, s23;
	[sflag:s22] =	ssyncadd.s32 $0xFFFFFF80  }
0xda: {  	s24 =	sand.u32 $0x1, s23;
	_ =	strace $0x9000004B  }
0xdb: {  	s0 =	sadd.s32 $0x3, s24;
	_ =	strace $0x8000004C  }
0xdc: {  	_ =	swait.ge [sflag:s0], $0x80  }
0xdd: {  	[sflag:s0] =	ssyncset.done $0x0  }
0xde: {  	[sflag:s0] =	ssyncadd.s32 $0xFFFFFF80  }
0xdf: {  	s25 =	sshll.u32 s21, $0x7;
	_ =	strace $0x9000004C  }
0xe0: {  	s0 =	sand.u32 $0x80, s25;
	_ =	strace $0x8000004D  }
0xe1: {  	s3 =	sshll.u32 s23, $0x7;
	v0 =	vld [tilespmem:s0+$0x80]  }
0xe2: {  	s3 =	sand.u32 $0x80, s3  }
0xe3: {  	v1 =	vld [tilespmem:s3+$0x180];
	_ =	sdelay $0x2  }
0xe4: {  	v0 =	vmul.u32 $0x3, v0;
	_ =	sdelay $0x1  }
0xe5: {  	v0 =	vadd.s32 v1, v0  }
0xe6: {  	vm0 =	vgt.s32 v0, $0x31FFF;
	v1 =	vadd.s32 $0xFFFCE000, v0  }
0xe7: {  	v0 =	vsel vm0, v1, v0  }
0xe8: {  	[tilespmem:$0x0] =	vst v0  }
0xe9: {  	v0 =	vld [tilespmem:s0+$0x90];
	_ =	sdelay $0x1  }
0xea: {  	v57 =	vld [tilespmem:s3+$0x190];
	_ =	sdelay $0x2  }
0xeb: {  	v0 =	vmul.u32 $0x3, v0;
	_ =	sdelay $0x1  }
0xec: {  	v0 =	vadd.s32 v57, v0  }
0xed: {  	vm9 =	vgt.s32 v0, $0x31FFF;
	v1 =	vadd.s32 $0xFFFCE000, v0  }
0xee: {  	v0 =	vsel vm9, v1, v0  }
0xef: {  	[tilespmem:$0x10] =	vst v0  }
0xf0: {  	v0 =	vld [tilespmem:s0+$0xA0];
	_ =	sdelay $0x1  }
0xf1: {  	v58 =	vld [tilespmem:s3+$0x1A0];
	_ =	sdelay $0x2  }
0xf2: {  	v0 =	vmul.u32 $0x3, v0;
	_ =	sdelay $0x1  }
0xf3: {  	v0 =	vadd.s32 v58, v0  }
0xf4: {  	vm10 =	vgt.s32 v0, $0x31FFF;
	v1 =	vadd.s32 $0xFFFCE000, v0  }
0xf5: {  	v0 =	vsel vm10, v1, v0  }
0xf6: {  	[tilespmem:$0x20] =	vst v0  }
0xf7: {  	v0 =	vld [tilespmem:s0+$0xB0];
	_ =	sdelay $0x1  }
0xf8: {  	v59 =	vld [tilespmem:s3+$0x1B0];
	_ =	sdelay $0x2  }
0xf9: {  	v0 =	vmul.u32 $0x3, v0;
	_ =	sdelay $0x1  }
0xfa: {  	v0 =	vadd.s32 v59, v0  }
0xfb: {  	vm11 =	vgt.s32 v0, $0x31FFF;
	v1 =	vadd.s32 $0xFFFCE000, v0  }
0xfc: {  	v0 =	vsel vm11, v1, v0  }
0xfd: {  	[tilespmem:$0x30] =	vst v0  }
0xfe: {  	v0 =	vld [tilespmem:s0+$0xC0];
	_ =	sdelay $0x1  }
0xff: {  	v60 =	vld [tilespmem:s3+$0x1C0];
	_ =	sdelay $0x2  }
0x100: {  	v0 =	vmul.u32 $0x3, v0;
	_ =	sdelay $0x1  }
0x101: {  	v0 =	vadd.s32 v60, v0  }
0x102: {  	vm12 =	vgt.s32 v0, $0x31FFF;
	v1 =	vadd.s32 $0xFFFCE000, v0  }
0x103: {  	v0 =	vsel vm12, v1, v0  }
0x104: {  	[tilespmem:$0x40] =	vst v0  }
0x105: {  	v0 =	vld [tilespmem:s0+$0xD0];
	_ =	sdelay $0x1  }
0x106: {  	v61 =	vld [tilespmem:s3+$0x1D0];
	_ =	sdelay $0x2  }
0x107: {  	v0 =	vmul.u32 $0x3, v0;
	_ =	sdelay $0x1  }
0x108: {  	v0 =	vadd.s32 v61, v0  }
0x109: {  	vm13 =	vgt.s32 v0, $0x31FFF;
	v1 =	vadd.s32 $0xFFFCE000, v0  }
0x10a: {  	v0 =	vsel vm13, v1, v0  }
0x10b: {  	[tilespmem:$0x50] =	vst v0  }
0x10c: {  	v0 =	vld [tilespmem:s0+$0xE0];
	_ =	sdelay $0x1  }
0x10d: {  	v62 =	vld [tilespmem:s3+$0x1E0];
	_ =	sdelay $0x2  }
0x10e: {  	v0 =	vmul.u32 $0x3, v0;
	_ =	sdelay $0x1  }
0x10f: {  	v0 =	vadd.s32 v62, v0  }
0x110: {  	vm14 =	vgt.s32 v0, $0x31FFF;
	v1 =	vadd.s32 $0xFFFCE000, v0  }
0x111: {  	v0 =	vsel vm14, v1, v0  }
0x112: {  	[tilespmem:$0x60] =	vst v0  }
0x113: {  	v0 =	vld [tilespmem:s0+$0xF0];
	_ =	sdelay $0x1  }
0x114: {  	v63 =	vld [tilespmem:s3+$0x1F0];
	_ =	sdelay $0x2  }
0x115: {  	v0 =	vmul.u32 $0x3, v0;
	_ =	sdelay $0x1  }
0x116: {  	v0 =	vadd.s32 v63, v0  }
0x117: {  	s0 =	sand.u32 $0x1, s19;
	vm15 =	vgt.s32 v0, $0x31FFF;
	v1 =	vadd.s32 $0xFFFCE000, v0  }
0x118: {  	s28 =	sshll.u32 s0, $0xE;
	v0 =	vsel vm15, v1, v0  }
0x119: {  	s26 =	rddreg [dreg:$0x3];
	s6 =	sor.u32 $0x280, s28;
	[tilespmem:$0x70] =	vst v0  }
0x11a: {  	[tilespmem:s6], [sflag:$0x7] =	stream.indirect.gather [hbm4b:s26+s9], $0x80, s1, s9, $0x2000b8;
	[tilespmem:$0x8280] =	vst v63  }
0x11b: {  	_ =	swait.ge [sflag:s11], $0x4000  }
0x11c: {  	[sflag:s11] =	ssyncset.done $0x0  }
0x11d: {  	p1 =	sne.s32 s15, s18;
	[sflag:s11] =	ssyncadd.s32 $0xFFFFC000  }
0x11e: {  	p0 =	por p0, p1;
	s3 =	sadd.s32 s5, s15;
	_ =	strace $0x9000004D  }
0x11f: {  	s3 =	sshll.u32 @p0 s3, $0xB;
	_ =	strace @p0 $0x8000004E  }
0x120: {  	p1 =	seq.s32 s16, $0x4;
	s3 =	sand.u32 @p0 $0x1FFFF800, s3;
	s7 =	rddreg [dreg:$0x4]  }
0x121: {  	s0 =	sadd.s32 @p0 $0x5, s0;
	s3 =	sadd.s32 @p0 s7, s3;
	s7 =	simm.s32 @p0 $0x0  }
0x122: {  	[hbm4b:s3+s7] =	stream.linear.scatter @p0 [tilespmem:s6], [sflag:s0], $0x4000, $0x200038;
	[tilespmem:$0x8280] =	vst v63  }
0x123: {  	s0 =	sand.u32 @!p1 $0x1, s17;
	_ =	strace @p0 $0x9000004E  }
0x124: {  	s0 =	sadd.s32 @!p1 $0x5, s0;
	_ =	strace @!p1 $0x8000004F  }
0x125: {  	_ =	swait.ge @!p1 [sflag:s0], $0x4000  }
0x126: {  	[sflag:s0] =	ssyncset.done @!p1 $0x0  }
0x127: {  	[sflag:s0] =	ssyncadd.s32 @!p1 $0xFFFFC000  }
0x128: {  	_ =	strace @!p1 $0x9000004F  }
0x129: {  	s29 =	simm.s32 $0x6;
	_ =	strace $0x80000050  }
0x12a: {  	_ =	swait.ge [sflag:s29], $0x4000  }
0x12b: {  	s30 =	rddreg [dreg:$0x8]  }
0x12c: {  	s31 =	rddreg [dreg:$0x7];
	s3 =	sadd.s32 $0x1, s30  }
0x12d: {  	p0 =	sne.s32 s3, s31  }
.Ltmp1:
0x12e: {  	_ = 	snop;
	(pc) =	sbr.rel @p0 .LBB2_1-.Ltmp1, $4  }
0x12f: {  	_ = 	snop  }
0x130: {  	[sflag:s29] =	ssyncset.done $0x0  }
0x131: {  	[sflag:s29] =	ssyncadd.s32 $0xFFFFC000  }
0x132: {  	_ =	strace $0x90000050  }
0x133: {  	_ =	sfence.sel $0x180000  }
0x134: {  	[bflag:$0x0] =	sbarrier.arrive $0xFFFF  }
0x135: {  	_ =	strace $0x90000047  }
0x136: {  	s0 =	stileid.u32;
	[bflag:$0x2] =	sbarrier.arrive $0xFFFF  }
0x137: {  	p0 =	sne.s32 s0, $0x0;
	s0 =	rddreg [dreg:$0x2]  }
0x138: {  	s0 =	sadd.s32 @!p0 $0x100000, s0  }
0x139: {  	[sflag:s0] =	ssyncadd.tile.s32 @!p0 $0x1;
	_ =	shalt  }
.Lfunc_end2:
_tile_overlayer_lowered:
.L_overlay_start_2:
0x13a: {  	(tag) =	ssettag $0x2  }
0x13b: {  	s0 =	rddreg [dreg:$0x0];
	s2 =	stileid.u32  }
0x13c: {  	s1 =	rddreg [dreg:$0x1];
	p0 =	sne.s32 s2, $0x0  }
0x13d: {  	s3 =	rddreg [dreg:$0x2];
	[bflag:$0x3] =	sbarrier.arrive $0xFFFF;
	s2 =	simm.s32 @!p0 $0x1C01  }
0x13e: {  	[timem:s3], [sflag:s2] =	dma.local @!p0 [hbm:s0], s1  }
0x13f: {  	s0 =	simm.s32 @!p0 $0x1  }
0x140: {  	_ =	swait.ge @!p0 [sflag:s0], s1  }
0x141: {  	s1 =	ssub.s32 @!p0 $0x0, s1;
	[sflag:s0] =	ssyncset.done @!p0 $0x0  }
0x142: {  	[sflag:s0] =	ssyncadd.s32 @!p0 s1  }
0x143: {  	[bflag:$0x3] =	sbarrier.arrive $0xFFFF  }
0x144: {  	_ =	shalt  }

</sc_bundles>
